<compile_context>
chip_gen: v7x
topology: tpu7x:2x2x1
jax: 0.10.2.dev20260603
libtpu: 0.0.44.dev20260713+nightly
codegen_flags: <defaults>
</compile_context>

<pallas_src>
import functools

import jax
import jax.numpy as jnp
from jax import lax
from jax.experimental import pallas as pl
from jax.experimental.pallas import tpu as pltpu
from jax.experimental.pallas import tpu_sc as plsc

_B, _N, _D, _E = 2, 10000, 128, 160000
_NC, _NS = 2, 16
_CHUNK = 128
_CPT = 80
_E_PAD = _NS * _CPT * _CHUNK
_N_PAD = 10240
_ZROWS = _N_PAD // _NS
_OROWS = _N // _NS
_DEGW = 16

@functools.cache
def _sc_mesh():
    return plsc.VectorSubcoreMesh(core_axis_name="c", subcore_axis_name="s",
                                  num_cores=_NC, num_subcores=_NS)


def _deg_body(rows_hbm, deg_hbm, idx_v, hist_v):
    c = lax.axis_index("c")
    s = lax.axis_index("s")

    def zero(i, _):
        hist_v[pl.ds(i * 16, 16)] = jnp.zeros((16,), jnp.float32)
        return 0

    lax.fori_loop(0, _N_PAD // 16, zero, 0)
    pltpu.sync_copy(rows_hbm.at[c, pl.ds(s * _CPT, _CPT)], idx_v)

    ones16 = jnp.ones((16,), jnp.float32)

    def outer(g, _):
        def inner(j, _):
            idx16 = idx_v[g, pl.ds(j * 16, 16)]
            plsc.addupdate_scatter(hist_v, [idx16], ones16)
            return 0
        lax.fori_loop(0, _CHUNK // 16, inner, 0)
        return 0

    lax.fori_loop(0, _CPT, outer, 0)
    pltpu.sync_copy(hist_v, deg_hbm.at[c, s])


@functools.cache
def _deg_call():
    return pl.kernel(
        _deg_body, mesh=_sc_mesh(),
        compiler_params=pltpu.CompilerParams(needs_layout_passes=False),
        out_type=jax.ShapeDtypeStruct((_B, _NS, _N_PAD), jnp.float32),
        scratch_types=[
            pltpu.VMEM((_CPT, _CHUNK), jnp.int32),
            pltpu.VMEM((_N_PAD,), jnp.float32),
        ],
    )


_HCPT = _CPT // 2


def _spmm_body(h_hbm, rows_hbm, cols_hbm, zeros_hbm, out_hbm,
               rows_v, cols_v, buf0, buf1, semg0, semg1, sems0, sems1, acc_sh):
    c = lax.axis_index("c")
    s = lax.axis_index("s")
    pltpu.sync_copy(zeros_hbm, acc_sh.at[pl.ds(s * _ZROWS, _ZROWS)])
    plsc.subcore_barrier()

    def wait_g(idx_row, buf, sem):
        pltpu.make_async_copy(h_hbm.at[idx_row], buf, sem).wait()

    def wait_s(idx_row, buf, sem):
        pltpu.make_async_copy(buf, acc_sh.at[idx_row], sem).wait()

    for p in range(2):
        base = s * _CPT + p * _HCPT
        pltpu.sync_copy(rows_hbm.at[c, pl.ds(base, _HCPT)], rows_v)
        pltpu.sync_copy(cols_hbm.at[c, pl.ds(base, _HCPT)], cols_v)

        pltpu.async_copy(h_hbm.at[cols_v.at[0]], buf0, semg0)

        def body(i, _):
            g = 2 * i
            pltpu.async_copy(h_hbm.at[cols_v.at[g + 1]], buf1, semg1)
            wait_g(cols_v.at[g], buf0, semg0)
            pltpu.sync_copy(buf0, acc_sh.at[rows_v.at[g]], add=True)

            @pl.when(i < _HCPT // 2 - 1)
            def _():
                pltpu.async_copy(h_hbm.at[cols_v.at[g + 2]], buf0, semg0)

            wait_g(cols_v.at[g + 1], buf1, semg1)
            pltpu.sync_copy(buf1, acc_sh.at[rows_v.at[g + 1]], add=True)
            return 0

        lax.fori_loop(0, _HCPT // 2, body, 0)

    plsc.subcore_barrier()
    pltpu.sync_copy(acc_sh.at[pl.ds(s * _ZROWS, _ZROWS)],
                    out_hbm.at[c, pl.ds(s * _ZROWS, _ZROWS)])


@functools.cache
def _spmm_call():
    return pl.kernel(
        _spmm_body, mesh=_sc_mesh(),
        out_type=jax.ShapeDtypeStruct((_B, _N_PAD, _D), jnp.float32),
        scratch_types=[
            pltpu.VMEM((_HCPT, _CHUNK), jnp.int32),
            pltpu.VMEM((_HCPT, _CHUNK), jnp.int32),
            pltpu.VMEM((_CHUNK, _D), jnp.float32),
            pltpu.VMEM((_CHUNK, _D), jnp.float32),
            pltpu.SemaphoreType.DMA,
            pltpu.SemaphoreType.DMA,
            pltpu.SemaphoreType.DMA,
            pltpu.SemaphoreType.DMA,
            pltpu.VMEM_SHARED((_N_PAD, _D), jnp.float32),
        ],
    )


def _norm_from_partials(deg_ref):
    deg = jnp.sum(deg_ref[...][0], axis=1)
    return lax.rsqrt(deg + 1e-6)[:, None]


def _h_body(x_ref, th_ref, deg_ref, h_ref):
    norm = _norm_from_partials(deg_ref)
    h_ref[...] = jnp.dot(x_ref[...], th_ref[...],
                         preferred_element_type=jnp.float32) * norm


def _pre_body(x_ref, wt_ref, bt_ref, wh_ref, gate_ref, base_ref):
    xb = x_ref[...]
    gate = jax.nn.sigmoid(jnp.dot(xb, wt_ref[...],
                                  preferred_element_type=jnp.float32)
                          + bt_ref[...])
    gate_ref[...] = gate
    base_ref[...] = (1.0 - gate) * jnp.dot(xb, wh_ref[...],
                                           preferred_element_type=jnp.float32)


def _post_body(gate_ref, base_ref, agg_ref, deg_ref, out_ref):
    norm = _norm_from_partials(deg_ref)
    out_ref[...] = gate_ref[...] * (agg_ref[...][0] * norm) + base_ref[...]


_BM = 5000
_NB = _N // _BM

_deg_spec = pl.BlockSpec((1, _BM, _NS), lambda i: (i // _NB, i % _NB, 0))


def _tc_h(x2, theta, deg):
    return pl.pallas_call(
        _h_body,
        grid=(_B * _N // _BM,),
        in_specs=[
            pl.BlockSpec((_BM, _D), lambda i: (i, 0)),
            pl.BlockSpec((_D, _D), lambda i: (0, 0)),
            _deg_spec,
        ],
        out_specs=pl.BlockSpec((_BM, _D), lambda i: (i, 0)),
        out_shape=jax.ShapeDtypeStruct((_B * _N, _D), jnp.float32),
    )(x2, theta, deg)


def _tc_pre(x2, W_t, b_t, W_h):
    return pl.pallas_call(
        _pre_body,
        grid=(_B * _N // _BM,),
        in_specs=[
            pl.BlockSpec((_BM, _D), lambda i: (i, 0)),
            pl.BlockSpec((_D, _D), lambda i: (0, 0)),
            pl.BlockSpec((1, _D), lambda i: (0, 0)),
            pl.BlockSpec((_D, _D), lambda i: (0, 0)),
        ],
        out_specs=[pl.BlockSpec((_BM, _D), lambda i: (i, 0)),
                   pl.BlockSpec((_BM, _D), lambda i: (i, 0))],
        out_shape=[jax.ShapeDtypeStruct((_B * _N, _D), jnp.float32),
                   jax.ShapeDtypeStruct((_B * _N, _D), jnp.float32)],
    )(x2, W_t, b_t.reshape(1, _D), W_h)


def _tc_post(gate2, base2, agg, deg):
    return pl.pallas_call(
        _post_body,
        grid=(_B * _N // _BM,),
        in_specs=[
            pl.BlockSpec((_BM, _D), lambda i: (i, 0)),
            pl.BlockSpec((_BM, _D), lambda i: (i, 0)),
            pl.BlockSpec((1, _BM, _D), lambda i: (i // _NB, i % _NB, 0)),
            _deg_spec,
        ],
        out_specs=pl.BlockSpec((_BM, _D), lambda i: (i, 0)),
        out_shape=jax.ShapeDtypeStruct((_B * _N, _D), jnp.float32),
    )(gate2, base2, agg, deg)


def kernel(x, adj_rows, adj_cols, adj_vals, W_t, b_t, W_h, theta):
    rows32 = adj_rows.astype(jnp.int32)
    cols32 = adj_cols.astype(jnp.int32)
    pad = _E_PAD - _E
    rows_p = jnp.concatenate(
        [rows32, jnp.full((_B, pad), _N, jnp.int32)], axis=1
    ).reshape(_B, _NS * _CPT, _CHUNK)
    offs = (jnp.arange(_B, dtype=jnp.int32) * _N)[:, None]
    cols_p = jnp.concatenate(
        [cols32 + offs, jnp.zeros((_B, pad), jnp.int32)], axis=1
    ).reshape(_B, _NS * _CPT, _CHUNK)

    zeros_row = jnp.zeros((_ZROWS, _D), jnp.float32)

    deg = _deg_call()(rows_p)
    deg = jnp.transpose(deg, (0, 2, 1))

    x2 = x.reshape(_B * _N, _D)
    h = _tc_h(x2, theta, deg)
    gate2, base2 = _tc_pre(x2, W_t, b_t, W_h)
    agg = _spmm_call()(h, rows_p, cols_p, zeros_row)
    out2 = _tc_post(gate2, base2, agg, deg)
    return out2.reshape(_B, _N, _D)

# --- scband reference (transcript-rebuilt; emitter-appended) ---
"""Pipeline reference for scband-ghconv-27238682591748 (READ-ONLY COPY).

The authoritative reference and input builder live on the scoring server;
editing this copy changes nothing except your own understanding.
"""

import jax, jax.numpy as jnp
import numpy as np

B, N, D, E = 2, 10000, 128, 160000


def setup_inputs(seed: int = 0) -> dict:
    key = jax.random.key(seed)
    ks = jax.random.split(key, 6)
    x = jax.random.normal(ks[0], (B, N, D), dtype=jnp.float32)
    adj_rows = jax.random.randint(ks[1], (B, E), 0, N, dtype=jnp.int64)
    adj_cols = jax.random.randint(ks[2], (B, E), 0, N, dtype=jnp.int64)
    adj_vals = jnp.ones((B, E), dtype=jnp.float32)
    W_t = jax.random.normal(ks[3], (D, D), dtype=jnp.float32) * 0.05
    b_t = jnp.zeros((D,), dtype=jnp.float32)
    W_h = jax.random.normal(ks[4], (D, D), dtype=jnp.float32) * 0.05
    theta = jax.random.normal(ks[5], (D, D), dtype=jnp.float32) * 0.05
    return {"x": x, "adj_rows": adj_rows, "adj_cols": adj_cols, "adj_vals": adj_vals,
            "W_t": W_t, "b_t": b_t, "W_h": W_h, "theta": theta}


def reference(x, adj_rows, adj_cols, adj_vals, W_t, b_t, W_h, theta):
    # in_degrees = sparse row-sums of adj: [B, N]
    def _row_sum(r, v):
        return jnp.zeros((N,), dtype=jnp.float32).at[r].add(v)
    in_degrees = jax.vmap(_row_sum)(adj_rows, adj_vals)
    norm = jnp.expand_dims(jnp.power(in_degrees + 1e-06, -0.5), -1)  # [B, N, 1]
    f_hom = jnp.matmul(x, theta)  # [B, N, D]
    h = f_hom * norm
    # batched sparse-dense matmul: out[b, i, :] += vals[b, e] * h[b, cols[b, e], :]
    def _spmm(r, c, v, hh):
        gathered = jnp.take(hh, c, axis=0) * v[:, None]  # [E, D]
        return jnp.zeros((N, D), dtype=jnp.float32).at[r].add(gathered)
    f_hom = jax.vmap(_spmm)(adj_rows, adj_cols, adj_vals, h) * norm
    f_het = jnp.matmul(x, W_h)
    gate = jax.nn.sigmoid(jnp.matmul(x, W_t) + b_t)
    out = gate * f_hom + (1.0 - gate) * f_het
    return out

if __name__ == "__main__":
    import jax
    _d = setup_inputs()
    print(jax.jit(kernel)(*tuple(_d.values())))

</pallas_src>

<mosaic_0001>
#map = affine_map<(d0, d1) -> (0, 0)>
#map1 = affine_map<(d0, d1) -> (0, 0, 0)>
module attributes {stable_mosaic.version = 14 : i64} {
  func.func @_spmm_body(%arg0: i32, %arg1: i32, %arg2: memref<20000x128xf32, #tpu.memory_space<hbm>>, %arg3: memref<2x1280x128xi32, #tpu.memory_space<hbm>>, %arg4: memref<2x1280x128xi32, #tpu.memory_space<hbm>>, %arg5: memref<640x128xf32, #tpu.memory_space<hbm>>, %arg6: memref<2x10240x128xf32, #tpu.memory_space<hbm>>, %arg7: memref<40x128xi32, #tpu.memory_space<vmem>>, %arg8: memref<40x128xi32, #tpu.memory_space<vmem>>, %arg9: memref<128x128xf32, #tpu.memory_space<vmem>>, %arg10: memref<128x128xf32, #tpu.memory_space<vmem>>, %arg11: memref<!tpu.dma_semaphore, #tpu.memory_space<semaphore_mem>>, %arg12: memref<!tpu.dma_semaphore, #tpu.memory_space<semaphore_mem>>, %arg13: memref<!tpu.dma_semaphore, #tpu.memory_space<semaphore_mem>>, %arg14: memref<!tpu.dma_semaphore, #tpu.memory_space<semaphore_mem>>, %arg15: memref<10240x128xf32, #tpu.memory_space<vmem_shared>>) attributes {dimension_semantics = [#tpu.dimension_semantics<core_parallel>, #tpu.dimension_semantics<subcore_parallel>], iteration_bounds = array<i64: 2, 16>, scalar_prefetch = 0 : i64, scratch_operands = 9 : i64, tpu.core_type = #tpu.core_type<sc_vector_subcore>, window_params = [{transform_indices = #map}, {transform_indices = #map1}, {transform_indices = #map1}, {transform_indices = #map}, {transform_indices = #map1}]} {
    %mul3A = arith.constant 640 : i32
    %mul3A_0 = arith.muli %arg1, %mul3A : i32
    "tpu.region"() ({
      %run_scoped3A = tpu.sem_alloc : memref<!tpu.dma_semaphore, #tpu.memory_space<semaphore_mem>>
      %dma_start3A_39 = arith.constant 0 : i32
      %dma_start3A_40 = tpu.memref_slice %arg15[%mul3A_0, %dma_start3A_39] : memref<10240x128xf32, #tpu.memory_space<vmem_shared>> -> memref<640x128xf32, #tpu.memory_space<vmem_shared>>
      tpu.enqueue_dma source(%arg5 : memref<640x128xf32, #tpu.memory_space<hbm>>) target(%dma_start3A_40 : memref<640x128xf32, #tpu.memory_space<vmem_shared>>) target_semaphore(%run_scoped3A : memref<!tpu.dma_semaphore, #tpu.memory_space<semaphore_mem>>)
      %dma_wait3A = arith.constant 0 : i32
      %dma_wait3A_41 = tpu.memref_slice %arg15[%mul3A_0, %dma_wait3A] : memref<10240x128xf32, #tpu.memory_space<vmem_shared>> -> memref<640x128xf32, #tpu.memory_space<vmem_shared>>
      tpu.wait_dma2 semaphore(%run_scoped3A : memref<!tpu.dma_semaphore, #tpu.memory_space<semaphore_mem>>) src(%arg5 : memref<640x128xf32, #tpu.memory_space<hbm>>) dst(%dma_wait3A_41 : memref<640x128xf32, #tpu.memory_space<vmem_shared>>)
      tpu.yield
    }) : () -> ()
    %barrier3A = arith.constant 0 : index
    tpu.barrier barrier_id(%barrier3A)
    %mul3A_1 = arith.constant 80 : i32
    %mul3A_2 = arith.muli %arg1, %mul3A_1 : i32
    %add3A = arith.constant 0 : i32
    %add3A_3 = arith.addi %mul3A_2, %add3A : i32
    "tpu.region"() ({
      %run_scoped3A = tpu.sem_alloc : memref<!tpu.dma_semaphore, #tpu.memory_space<semaphore_mem>>
      %dma_start3A_39 = arith.constant 0 : i32
      %dma_start3A_40 = tpu.memref_slice %arg3[%arg0, %add3A_3, %dma_start3A_39] : memref<2x1280x128xi32, #tpu.memory_space<hbm>> -> memref<1x40x128xi32, #tpu.memory_space<hbm>>
      %dma_start3A_41 = tpu.memref_squeeze %dma_start3A_40 : memref<1x40x128xi32, #tpu.memory_space<hbm>> -> memref<40x128xi32, #tpu.memory_space<hbm>>
      %dma_start3A_42 = arith.constant 0 : i32
      %dma_start3A_43 = tpu.memref_slice %arg3[%arg0, %add3A_3, %dma_start3A_42] : memref<2x1280x128xi32, #tpu.memory_space<hbm>> -> memref<1x40x128xi32, #tpu.memory_space<hbm>>
      %dma_start3A_44 = tpu.memref_squeeze %dma_start3A_43 : memref<1x40x128xi32, #tpu.memory_space<hbm>> -> memref<40x128xi32, #tpu.memory_space<hbm>>
      tpu.enqueue_dma source(%dma_start3A_44 : memref<40x128xi32, #tpu.memory_space<hbm>>) target(%arg7 : memref<40x128xi32, #tpu.memory_space<vmem>>) target_semaphore(%run_scoped3A : memref<!tpu.dma_semaphore, #tpu.memory_space<semaphore_mem>>)
      %dma_wait3A = arith.constant 0 : i32
      %dma_wait3A_45 = tpu.memref_slice %arg3[%arg0, %add3A_3, %dma_wait3A] : memref<2x1280x128xi32, #tpu.memory_space<hbm>> -> memref<1x40x128xi32, #tpu.memory_space<hbm>>
      %dma_wait3A_46 = tpu.memref_squeeze %dma_wait3A_45 : memref<1x40x128xi32, #tpu.memory_space<hbm>> -> memref<40x128xi32, #tpu.memory_space<hbm>>
      %dma_wait3A_47 = arith.constant 0 : i32
      %dma_wait3A_48 = tpu.memref_slice %arg3[%arg0, %add3A_3, %dma_wait3A_47] : memref<2x1280x128xi32, #tpu.memory_space<hbm>> -> memref<1x40x128xi32, #tpu.memory_space<hbm>>
      %dma_wait3A_49 = tpu.memref_squeeze %dma_wait3A_48 : memref<1x40x128xi32, #tpu.memory_space<hbm>> -> memref<40x128xi32, #tpu.memory_space<hbm>>
      tpu.wait_dma2 semaphore(%run_scoped3A : memref<!tpu.dma_semaphore, #tpu.memory_space<semaphore_mem>>) src(%dma_wait3A_49 : memref<40x128xi32, #tpu.memory_space<hbm>>) dst(%arg7 : memref<40x128xi32, #tpu.memory_space<vmem>>)
      tpu.yield
    }) : () -> ()
    "tpu.region"() ({
      %run_scoped3A = tpu.sem_alloc : memref<!tpu.dma_semaphore, #tpu.memory_space<semaphore_mem>>
      %dma_start3A_39 = arith.constant 0 : i32
      %dma_start3A_40 = tpu.memref_slice %arg4[%arg0, %add3A_3, %dma_start3A_39] : memref<2x1280x128xi32, #tpu.memory_space<hbm>> -> memref<1x40x128xi32, #tpu.memory_space<hbm>>
      %dma_start3A_41 = tpu.memref_squeeze %dma_start3A_40 : memref<1x40x128xi32, #tpu.memory_space<hbm>> -> memref<40x128xi32, #tpu.memory_space<hbm>>
      %dma_start3A_42 = arith.constant 0 : i32
      %dma_start3A_43 = tpu.memref_slice %arg4[%arg0, %add3A_3, %dma_start3A_42] : memref<2x1280x128xi32, #tpu.memory_space<hbm>> -> memref<1x40x128xi32, #tpu.memory_space<hbm>>
      %dma_start3A_44 = tpu.memref_squeeze %dma_start3A_43 : memref<1x40x128xi32, #tpu.memory_space<hbm>> -> memref<40x128xi32, #tpu.memory_space<hbm>>
      tpu.enqueue_dma source(%dma_start3A_44 : memref<40x128xi32, #tpu.memory_space<hbm>>) target(%arg8 : memref<40x128xi32, #tpu.memory_space<vmem>>) target_semaphore(%run_scoped3A : memref<!tpu.dma_semaphore, #tpu.memory_space<semaphore_mem>>)
      %dma_wait3A = arith.constant 0 : i32
      %dma_wait3A_45 = tpu.memref_slice %arg4[%arg0, %add3A_3, %dma_wait3A] : memref<2x1280x128xi32, #tpu.memory_space<hbm>> -> memref<1x40x128xi32, #tpu.memory_space<hbm>>
      %dma_wait3A_46 = tpu.memref_squeeze %dma_wait3A_45 : memref<1x40x128xi32, #tpu.memory_space<hbm>> -> memref<40x128xi32, #tpu.memory_space<hbm>>
      %dma_wait3A_47 = arith.constant 0 : i32
      %dma_wait3A_48 = tpu.memref_slice %arg4[%arg0, %add3A_3, %dma_wait3A_47] : memref<2x1280x128xi32, #tpu.memory_space<hbm>> -> memref<1x40x128xi32, #tpu.memory_space<hbm>>
      %dma_wait3A_49 = tpu.memref_squeeze %dma_wait3A_48 : memref<1x40x128xi32, #tpu.memory_space<hbm>> -> memref<40x128xi32, #tpu.memory_space<hbm>>
      tpu.wait_dma2 semaphore(%run_scoped3A : memref<!tpu.dma_semaphore, #tpu.memory_space<semaphore_mem>>) src(%dma_wait3A_49 : memref<40x128xi32, #tpu.memory_space<hbm>>) dst(%arg8 : memref<40x128xi32, #tpu.memory_space<vmem>>)
      tpu.yield
    }) : () -> ()
    %dma_start3A = arith.constant 0 : i32
    %dma_start3A_4 = arith.constant 0 : i32
    %dma_start3A_5 = tpu.memref_slice %arg8[%dma_start3A, %dma_start3A_4] : memref<40x128xi32, #tpu.memory_space<vmem>> -> memref<1x128xi32, #tpu.memory_space<vmem>>
    %dma_start3A_6 = tpu.memref_squeeze %dma_start3A_5 : memref<1x128xi32, #tpu.memory_space<vmem>> -> memref<128xi32, #tpu.memory_space<vmem>>
    %dma_start3A_7 = arith.constant 0 : i32
    %dma_start3A_8 = arith.constant 0 : i32
    %dma_start3A_9 = tpu.memref_slice %arg2[%dma_start3A_7, %dma_start3A_8] : memref<20000x128xf32, #tpu.memory_space<hbm>> -> memref<20000x128xf32, #tpu.memory_space<hbm>>
    tpu.enqueue_indirect_dma source(%dma_start3A_9 : memref<20000x128xf32, #tpu.memory_space<hbm>>) target(%arg9 : memref<128x128xf32, #tpu.memory_space<vmem>>) offsets(%dma_start3A_6 : memref<128xi32, #tpu.memory_space<vmem>>) semaphore(%arg11 : memref<!tpu.dma_semaphore, #tpu.memory_space<semaphore_mem>>)
    %scan3A = arith.constant 0 : i32
    %scan3A_10 = arith.constant 0 : i32
    %scan3A_11 = arith.constant 20 : i32
    %scan3A_12 = arith.addi %scan3A_10, %scan3A_11 : i32
    %scan3A_13 = arith.constant 1 : i32
    %scan3A_14 = scf.for %scan3A_39 = %scan3A_10 to %scan3A_12 step %scan3A_13 iter_args(%scan3A_40 = %scan3A) -> (i32)  : i32 {
      %mul3A_41 = arith.constant 2 : i32
      %mul3A_42 = arith.muli %mul3A_41, %scan3A_39 : i32
      %add3A_43 = arith.constant 1 : i32
      %add3A_44 = arith.addi %mul3A_42, %add3A_43 : i32
      %dma_start3A_45 = arith.constant 0 : i32
      %dma_start3A_46 = tpu.memref_slice %arg8[%add3A_44, %dma_start3A_45] : memref<40x128xi32, #tpu.memory_space<vmem>> -> memref<1x128xi32, #tpu.memory_space<vmem>>
      %dma_start3A_47 = tpu.memref_squeeze %dma_start3A_46 : memref<1x128xi32, #tpu.memory_space<vmem>> -> memref<128xi32, #tpu.memory_space<vmem>>
      %dma_start3A_48 = arith.constant 0 : i32
      %dma_start3A_49 = arith.constant 0 : i32
      %dma_start3A_50 = tpu.memref_slice %arg2[%dma_start3A_48, %dma_start3A_49] : memref<20000x128xf32, #tpu.memory_space<hbm>> -> memref<20000x128xf32, #tpu.memory_space<hbm>>
      tpu.enqueue_indirect_dma source(%dma_start3A_50 : memref<20000x128xf32, #tpu.memory_space<hbm>>) target(%arg10 : memref<128x128xf32, #tpu.memory_space<vmem>>) offsets(%dma_start3A_47 : memref<128xi32, #tpu.memory_space<vmem>>) semaphore(%arg12 : memref<!tpu.dma_semaphore, #tpu.memory_space<semaphore_mem>>)
      %dma_wait3A = arith.constant 0 : i32
      %dma_wait3A_51 = tpu.memref_slice %arg8[%mul3A_42, %dma_wait3A] : memref<40x128xi32, #tpu.memory_space<vmem>> -> memref<1x128xi32, #tpu.memory_space<vmem>>
      %dma_wait3A_52 = tpu.memref_squeeze %dma_wait3A_51 : memref<1x128xi32, #tpu.memory_space<vmem>> -> memref<128xi32, #tpu.memory_space<vmem>>
      %dma_wait3A_53 = arith.constant 0 : i32
      %dma_wait3A_54 = arith.constant 0 : i32
      %dma_wait3A_55 = tpu.memref_slice %arg2[%dma_wait3A_53, %dma_wait3A_54] : memref<20000x128xf32, #tpu.memory_space<hbm>> -> memref<20000x128xf32, #tpu.memory_space<hbm>>
      tpu.wait_indirect_dma semaphore(%arg11 : memref<!tpu.dma_semaphore, #tpu.memory_space<semaphore_mem>>) src(%dma_wait3A_55 : memref<20000x128xf32, #tpu.memory_space<hbm>>) dst(%arg9 : memref<128x128xf32, #tpu.memory_space<vmem>>)
      "tpu.region"() ({
        %run_scoped3A = tpu.sem_alloc : memref<!tpu.dma_semaphore, #tpu.memory_space<semaphore_mem>>
        %dma_start3A_69 = arith.constant 0 : i32
        %dma_start3A_70 = tpu.memref_slice %arg7[%mul3A_42, %dma_start3A_69] : memref<40x128xi32, #tpu.memory_space<vmem>> -> memref<1x128xi32, #tpu.memory_space<vmem>>
        %dma_start3A_71 = tpu.memref_squeeze %dma_start3A_70 : memref<1x128xi32, #tpu.memory_space<vmem>> -> memref<128xi32, #tpu.memory_space<vmem>>
        %dma_start3A_72 = arith.constant 0 : i32
        %dma_start3A_73 = arith.constant 0 : i32
        %dma_start3A_74 = tpu.memref_slice %arg15[%dma_start3A_72, %dma_start3A_73] : memref<10240x128xf32, #tpu.memory_space<vmem_shared>> -> memref<10240x128xf32, #tpu.memory_space<vmem_shared>>
        tpu.enqueue_indirect_dma source(%arg9 : memref<128x128xf32, #tpu.memory_space<vmem>>) target(%dma_start3A_74 : memref<10240x128xf32, #tpu.memory_space<vmem_shared>>) offsets(%dma_start3A_71 : memref<128xi32, #tpu.memory_space<vmem>>) semaphore(%run_scoped3A : memref<!tpu.dma_semaphore, #tpu.memory_space<semaphore_mem>>) {add = true}
        %dma_wait3A_75 = arith.constant 0 : i32
        %dma_wait3A_76 = tpu.memref_slice %arg7[%mul3A_42, %dma_wait3A_75] : memref<40x128xi32, #tpu.memory_space<vmem>> -> memref<1x128xi32, #tpu.memory_space<vmem>>
        %dma_wait3A_77 = tpu.memref_squeeze %dma_wait3A_76 : memref<1x128xi32, #tpu.memory_space<vmem>> -> memref<128xi32, #tpu.memory_space<vmem>>
        %dma_wait3A_78 = arith.constant 0 : i32
        %dma_wait3A_79 = arith.constant 0 : i32
        %dma_wait3A_80 = tpu.memref_slice %arg15[%dma_wait3A_78, %dma_wait3A_79] : memref<10240x128xf32, #tpu.memory_space<vmem_shared>> -> memref<10240x128xf32, #tpu.memory_space<vmem_shared>>
        tpu.wait_indirect_dma semaphore(%run_scoped3A : memref<!tpu.dma_semaphore, #tpu.memory_space<semaphore_mem>>) src(%arg9 : memref<128x128xf32, #tpu.memory_space<vmem>>) dst(%dma_wait3A_80 : memref<10240x128xf32, #tpu.memory_space<vmem_shared>>)
        tpu.yield
      }) : () -> ()
      %lt3A = arith.constant 19 : i32
      %lt3A_56 = arith.cmpi slt, %scan3A_39, %lt3A : i32
      %convert_element_type3A = arith.extui %lt3A_56 : i1 to i32
      %cond3A = arith.constant 0 : i32
      %cond3A_57 = arith.cmpi ne, %convert_element_type3A, %cond3A : i32
      scf.if %cond3A_57 {
        %add3A_69 = arith.constant 2 : i32
        %add3A_70 = arith.addi %mul3A_42, %add3A_69 : i32
        %dma_start3A_71 = arith.constant 0 : i32
        %dma_start3A_72 = tpu.memref_slice %arg8[%add3A_70, %dma_start3A_71] : memref<40x128xi32, #tpu.memory_space<vmem>> -> memref<1x128xi32, #tpu.memory_space<vmem>>
        %dma_start3A_73 = tpu.memref_squeeze %dma_start3A_72 : memref<1x128xi32, #tpu.memory_space<vmem>> -> memref<128xi32, #tpu.memory_space<vmem>>
        %dma_start3A_74 = arith.constant 0 : i32
        %dma_start3A_75 = arith.constant 0 : i32
        %dma_start3A_76 = tpu.memref_slice %arg2[%dma_start3A_74, %dma_start3A_75] : memref<20000x128xf32, #tpu.memory_space<hbm>> -> memref<20000x128xf32, #tpu.memory_space<hbm>>
        tpu.enqueue_indirect_dma source(%dma_start3A_76 : memref<20000x128xf32, #tpu.memory_space<hbm>>) target(%arg9 : memref<128x128xf32, #tpu.memory_space<vmem>>) offsets(%dma_start3A_73 : memref<128xi32, #tpu.memory_space<vmem>>) semaphore(%arg11 : memref<!tpu.dma_semaphore, #tpu.memory_space<semaphore_mem>>)
      } else {
      }
      %add3A_58 = arith.constant 1 : i32
      %add3A_59 = arith.addi %mul3A_42, %add3A_58 : i32
      %dma_wait3A_60 = arith.constant 0 : i32
      %dma_wait3A_61 = tpu.memref_slice %arg8[%add3A_59, %dma_wait3A_60] : memref<40x128xi32, #tpu.memory_space<vmem>> -> memref<1x128xi32, #tpu.memory_space<vmem>>
      %dma_wait3A_62 = tpu.memref_squeeze %dma_wait3A_61 : memref<1x128xi32, #tpu.memory_space<vmem>> -> memref<128xi32, #tpu.memory_space<vmem>>
      %dma_wait3A_63 = arith.constant 0 : i32
      %dma_wait3A_64 = arith.constant 0 : i32
      %dma_wait3A_65 = tpu.memref_slice %arg2[%dma_wait3A_63, %dma_wait3A_64] : memref<20000x128xf32, #tpu.memory_space<hbm>> -> memref<20000x128xf32, #tpu.memory_space<hbm>>
      tpu.wait_indirect_dma semaphore(%arg12 : memref<!tpu.dma_semaphore, #tpu.memory_space<semaphore_mem>>) src(%dma_wait3A_65 : memref<20000x128xf32, #tpu.memory_space<hbm>>) dst(%arg10 : memref<128x128xf32, #tpu.memory_space<vmem>>)
      %add3A_66 = arith.constant 1 : i32
      %add3A_67 = arith.addi %mul3A_42, %add3A_66 : i32
      "tpu.region"() ({
        %run_scoped3A = tpu.sem_alloc : memref<!tpu.dma_semaphore, #tpu.memory_space<semaphore_mem>>
        %dma_start3A_69 = arith.constant 0 : i32
        %dma_start3A_70 = tpu.memref_slice %arg7[%add3A_67, %dma_start3A_69] : memref<40x128xi32, #tpu.memory_space<vmem>> -> memref<1x128xi32, #tpu.memory_space<vmem>>
        %dma_start3A_71 = tpu.memref_squeeze %dma_start3A_70 : memref<1x128xi32, #tpu.memory_space<vmem>> -> memref<128xi32, #tpu.memory_space<vmem>>
        %dma_start3A_72 = arith.constant 0 : i32
        %dma_start3A_73 = arith.constant 0 : i32
        %dma_start3A_74 = tpu.memref_slice %arg15[%dma_start3A_72, %dma_start3A_73] : memref<10240x128xf32, #tpu.memory_space<vmem_shared>> -> memref<10240x128xf32, #tpu.memory_space<vmem_shared>>
        tpu.enqueue_indirect_dma source(%arg10 : memref<128x128xf32, #tpu.memory_space<vmem>>) target(%dma_start3A_74 : memref<10240x128xf32, #tpu.memory_space<vmem_shared>>) offsets(%dma_start3A_71 : memref<128xi32, #tpu.memory_space<vmem>>) semaphore(%run_scoped3A : memref<!tpu.dma_semaphore, #tpu.memory_space<semaphore_mem>>) {add = true}
        %dma_wait3A_75 = arith.constant 0 : i32
        %dma_wait3A_76 = tpu.memref_slice %arg7[%add3A_67, %dma_wait3A_75] : memref<40x128xi32, #tpu.memory_space<vmem>> -> memref<1x128xi32, #tpu.memory_space<vmem>>
        %dma_wait3A_77 = tpu.memref_squeeze %dma_wait3A_76 : memref<1x128xi32, #tpu.memory_space<vmem>> -> memref<128xi32, #tpu.memory_space<vmem>>
        %dma_wait3A_78 = arith.constant 0 : i32
        %dma_wait3A_79 = arith.constant 0 : i32
        %dma_wait3A_80 = tpu.memref_slice %arg15[%dma_wait3A_78, %dma_wait3A_79] : memref<10240x128xf32, #tpu.memory_space<vmem_shared>> -> memref<10240x128xf32, #tpu.memory_space<vmem_shared>>
        tpu.wait_indirect_dma semaphore(%run_scoped3A : memref<!tpu.dma_semaphore, #tpu.memory_space<semaphore_mem>>) src(%arg10 : memref<128x128xf32, #tpu.memory_space<vmem>>) dst(%dma_wait3A_80 : memref<10240x128xf32, #tpu.memory_space<vmem_shared>>)
        tpu.yield
      }) : () -> ()
      %scan3A_68 = arith.constant 0 : i32
      scf.yield %scan3A_68 : i32
    }
    %scan3A_15 = arith.constant 20 : i32
    %mul3A_16 = arith.constant 80 : i32
    %mul3A_17 = arith.muli %arg1, %mul3A_16 : i32
    %add3A_18 = arith.constant 40 : i32
    %add3A_19 = arith.addi %mul3A_17, %add3A_18 : i32
    "tpu.region"() ({
      %run_scoped3A = tpu.sem_alloc : memref<!tpu.dma_semaphore, #tpu.memory_space<semaphore_mem>>
      %dma_start3A_39 = arith.constant 0 : i32
      %dma_start3A_40 = tpu.memref_slice %arg3[%arg0, %add3A_19, %dma_start3A_39] : memref<2x1280x128xi32, #tpu.memory_space<hbm>> -> memref<1x40x128xi32, #tpu.memory_space<hbm>>
      %dma_start3A_41 = tpu.memref_squeeze %dma_start3A_40 : memref<1x40x128xi32, #tpu.memory_space<hbm>> -> memref<40x128xi32, #tpu.memory_space<hbm>>
      %dma_start3A_42 = arith.constant 0 : i32
      %dma_start3A_43 = tpu.memref_slice %arg3[%arg0, %add3A_19, %dma_start3A_42] : memref<2x1280x128xi32, #tpu.memory_space<hbm>> -> memref<1x40x128xi32, #tpu.memory_space<hbm>>
      %dma_start3A_44 = tpu.memref_squeeze %dma_start3A_43 : memref<1x40x128xi32, #tpu.memory_space<hbm>> -> memref<40x128xi32, #tpu.memory_space<hbm>>
      tpu.enqueue_dma source(%dma_start3A_44 : memref<40x128xi32, #tpu.memory_space<hbm>>) target(%arg7 : memref<40x128xi32, #tpu.memory_space<vmem>>) target_semaphore(%run_scoped3A : memref<!tpu.dma_semaphore, #tpu.memory_space<semaphore_mem>>)
      %dma_wait3A = arith.constant 0 : i32
      %dma_wait3A_45 = tpu.memref_slice %arg3[%arg0, %add3A_19, %dma_wait3A] : memref<2x1280x128xi32, #tpu.memory_space<hbm>> -> memref<1x40x128xi32, #tpu.memory_space<hbm>>
      %dma_wait3A_46 = tpu.memref_squeeze %dma_wait3A_45 : memref<1x40x128xi32, #tpu.memory_space<hbm>> -> memref<40x128xi32, #tpu.memory_space<hbm>>
      %dma_wait3A_47 = arith.constant 0 : i32
      %dma_wait3A_48 = tpu.memref_slice %arg3[%arg0, %add3A_19, %dma_wait3A_47] : memref<2x1280x128xi32, #tpu.memory_space<hbm>> -> memref<1x40x128xi32, #tpu.memory_space<hbm>>
      %dma_wait3A_49 = tpu.memref_squeeze %dma_wait3A_48 : memref<1x40x128xi32, #tpu.memory_space<hbm>> -> memref<40x128xi32, #tpu.memory_space<hbm>>
      tpu.wait_dma2 semaphore(%run_scoped3A : memref<!tpu.dma_semaphore, #tpu.memory_space<semaphore_mem>>) src(%dma_wait3A_49 : memref<40x128xi32, #tpu.memory_space<hbm>>) dst(%arg7 : memref<40x128xi32, #tpu.memory_space<vmem>>)
      tpu.yield
    }) : () -> ()
    "tpu.region"() ({
      %run_scoped3A = tpu.sem_alloc : memref<!tpu.dma_semaphore, #tpu.memory_space<semaphore_mem>>
      %dma_start3A_39 = arith.constant 0 : i32
      %dma_start3A_40 = tpu.memref_slice %arg4[%arg0, %add3A_19, %dma_start3A_39] : memref<2x1280x128xi32, #tpu.memory_space<hbm>> -> memref<1x40x128xi32, #tpu.memory_space<hbm>>
      %dma_start3A_41 = tpu.memref_squeeze %dma_start3A_40 : memref<1x40x128xi32, #tpu.memory_space<hbm>> -> memref<40x128xi32, #tpu.memory_space<hbm>>
      %dma_start3A_42 = arith.constant 0 : i32
      %dma_start3A_43 = tpu.memref_slice %arg4[%arg0, %add3A_19, %dma_start3A_42] : memref<2x1280x128xi32, #tpu.memory_space<hbm>> -> memref<1x40x128xi32, #tpu.memory_space<hbm>>
      %dma_start3A_44 = tpu.memref_squeeze %dma_start3A_43 : memref<1x40x128xi32, #tpu.memory_space<hbm>> -> memref<40x128xi32, #tpu.memory_space<hbm>>
      tpu.enqueue_dma source(%dma_start3A_44 : memref<40x128xi32, #tpu.memory_space<hbm>>) target(%arg8 : memref<40x128xi32, #tpu.memory_space<vmem>>) target_semaphore(%run_scoped3A : memref<!tpu.dma_semaphore, #tpu.memory_space<semaphore_mem>>)
      %dma_wait3A = arith.constant 0 : i32
      %dma_wait3A_45 = tpu.memref_slice %arg4[%arg0, %add3A_19, %dma_wait3A] : memref<2x1280x128xi32, #tpu.memory_space<hbm>> -> memref<1x40x128xi32, #tpu.memory_space<hbm>>
      %dma_wait3A_46 = tpu.memref_squeeze %dma_wait3A_45 : memref<1x40x128xi32, #tpu.memory_space<hbm>> -> memref<40x128xi32, #tpu.memory_space<hbm>>
      %dma_wait3A_47 = arith.constant 0 : i32
      %dma_wait3A_48 = tpu.memref_slice %arg4[%arg0, %add3A_19, %dma_wait3A_47] : memref<2x1280x128xi32, #tpu.memory_space<hbm>> -> memref<1x40x128xi32, #tpu.memory_space<hbm>>
      %dma_wait3A_49 = tpu.memref_squeeze %dma_wait3A_48 : memref<1x40x128xi32, #tpu.memory_space<hbm>> -> memref<40x128xi32, #tpu.memory_space<hbm>>
      tpu.wait_dma2 semaphore(%run_scoped3A : memref<!tpu.dma_semaphore, #tpu.memory_space<semaphore_mem>>) src(%dma_wait3A_49 : memref<40x128xi32, #tpu.memory_space<hbm>>) dst(%arg8 : memref<40x128xi32, #tpu.memory_space<vmem>>)
      tpu.yield
    }) : () -> ()
    %dma_start3A_20 = arith.constant 0 : i32
    %dma_start3A_21 = arith.constant 0 : i32
    %dma_start3A_22 = tpu.memref_slice %arg8[%dma_start3A_20, %dma_start3A_21] : memref<40x128xi32, #tpu.memory_space<vmem>> -> memref<1x128xi32, #tpu.memory_space<vmem>>
    %dma_start3A_23 = tpu.memref_squeeze %dma_start3A_22 : memref<1x128xi32, #tpu.memory_space<vmem>> -> memref<128xi32, #tpu.memory_space<vmem>>
    %dma_start3A_24 = arith.constant 0 : i32
    %dma_start3A_25 = arith.constant 0 : i32
    %dma_start3A_26 = tpu.memref_slice %arg2[%dma_start3A_24, %dma_start3A_25] : memref<20000x128xf32, #tpu.memory_space<hbm>> -> memref<20000x128xf32, #tpu.memory_space<hbm>>
    tpu.enqueue_indirect_dma source(%dma_start3A_26 : memref<20000x128xf32, #tpu.memory_space<hbm>>) target(%arg9 : memref<128x128xf32, #tpu.memory_space<vmem>>) offsets(%dma_start3A_23 : memref<128xi32, #tpu.memory_space<vmem>>) semaphore(%arg11 : memref<!tpu.dma_semaphore, #tpu.memory_space<semaphore_mem>>)
    %scan3A_27 = arith.constant 0 : i32
    %scan3A_28 = arith.constant 0 : i32
    %scan3A_29 = arith.constant 20 : i32
    %scan3A_30 = arith.addi %scan3A_28, %scan3A_29 : i32
    %scan3A_31 = arith.constant 1 : i32
    %scan3A_32 = scf.for %scan3A_39 = %scan3A_28 to %scan3A_30 step %scan3A_31 iter_args(%scan3A_40 = %scan3A_27) -> (i32)  : i32 {
      %mul3A_41 = arith.constant 2 : i32
      %mul3A_42 = arith.muli %mul3A_41, %scan3A_39 : i32
      %add3A_43 = arith.constant 1 : i32
      %add3A_44 = arith.addi %mul3A_42, %add3A_43 : i32
      %dma_start3A_45 = arith.constant 0 : i32
      %dma_start3A_46 = tpu.memref_slice %arg8[%add3A_44, %dma_start3A_45] : memref<40x128xi32, #tpu.memory_space<vmem>> -> memref<1x128xi32, #tpu.memory_space<vmem>>
      %dma_start3A_47 = tpu.memref_squeeze %dma_start3A_46 : memref<1x128xi32, #tpu.memory_space<vmem>> -> memref<128xi32, #tpu.memory_space<vmem>>
      %dma_start3A_48 = arith.constant 0 : i32
      %dma_start3A_49 = arith.constant 0 : i32
      %dma_start3A_50 = tpu.memref_slice %arg2[%dma_start3A_48, %dma_start3A_49] : memref<20000x128xf32, #tpu.memory_space<hbm>> -> memref<20000x128xf32, #tpu.memory_space<hbm>>
      tpu.enqueue_indirect_dma source(%dma_start3A_50 : memref<20000x128xf32, #tpu.memory_space<hbm>>) target(%arg10 : memref<128x128xf32, #tpu.memory_space<vmem>>) offsets(%dma_start3A_47 : memref<128xi32, #tpu.memory_space<vmem>>) semaphore(%arg12 : memref<!tpu.dma_semaphore, #tpu.memory_space<semaphore_mem>>)
      %dma_wait3A = arith.constant 0 : i32
      %dma_wait3A_51 = tpu.memref_slice %arg8[%mul3A_42, %dma_wait3A] : memref<40x128xi32, #tpu.memory_space<vmem>> -> memref<1x128xi32, #tpu.memory_space<vmem>>
      %dma_wait3A_52 = tpu.memref_squeeze %dma_wait3A_51 : memref<1x128xi32, #tpu.memory_space<vmem>> -> memref<128xi32, #tpu.memory_space<vmem>>
      %dma_wait3A_53 = arith.constant 0 : i32
      %dma_wait3A_54 = arith.constant 0 : i32
      %dma_wait3A_55 = tpu.memref_slice %arg2[%dma_wait3A_53, %dma_wait3A_54] : memref<20000x128xf32, #tpu.memory_space<hbm>> -> memref<20000x128xf32, #tpu.memory_space<hbm>>
      tpu.wait_indirect_dma semaphore(%arg11 : memref<!tpu.dma_semaphore, #tpu.memory_space<semaphore_mem>>) src(%dma_wait3A_55 : memref<20000x128xf32, #tpu.memory_space<hbm>>) dst(%arg9 : memref<128x128xf32, #tpu.memory_space<vmem>>)
      "tpu.region"() ({
        %run_scoped3A = tpu.sem_alloc : memref<!tpu.dma_semaphore, #tpu.memory_space<semaphore_mem>>
        %dma_start3A_69 = arith.constant 0 : i32
        %dma_start3A_70 = tpu.memref_slice %arg7[%mul3A_42, %dma_start3A_69] : memref<40x128xi32, #tpu.memory_space<vmem>> -> memref<1x128xi32, #tpu.memory_space<vmem>>
        %dma_start3A_71 = tpu.memref_squeeze %dma_start3A_70 : memref<1x128xi32, #tpu.memory_space<vmem>> -> memref<128xi32, #tpu.memory_space<vmem>>
        %dma_start3A_72 = arith.constant 0 : i32
        %dma_start3A_73 = arith.constant 0 : i32
        %dma_start3A_74 = tpu.memref_slice %arg15[%dma_start3A_72, %dma_start3A_73] : memref<10240x128xf32, #tpu.memory_space<vmem_shared>> -> memref<10240x128xf32, #tpu.memory_space<vmem_shared>>
        tpu.enqueue_indirect_dma source(%arg9 : memref<128x128xf32, #tpu.memory_space<vmem>>) target(%dma_start3A_74 : memref<10240x128xf32, #tpu.memory_space<vmem_shared>>) offsets(%dma_start3A_71 : memref<128xi32, #tpu.memory_space<vmem>>) semaphore(%run_scoped3A : memref<!tpu.dma_semaphore, #tpu.memory_space<semaphore_mem>>) {add = true}
        %dma_wait3A_75 = arith.constant 0 : i32
        %dma_wait3A_76 = tpu.memref_slice %arg7[%mul3A_42, %dma_wait3A_75] : memref<40x128xi32, #tpu.memory_space<vmem>> -> memref<1x128xi32, #tpu.memory_space<vmem>>
        %dma_wait3A_77 = tpu.memref_squeeze %dma_wait3A_76 : memref<1x128xi32, #tpu.memory_space<vmem>> -> memref<128xi32, #tpu.memory_space<vmem>>
        %dma_wait3A_78 = arith.constant 0 : i32
        %dma_wait3A_79 = arith.constant 0 : i32
        %dma_wait3A_80 = tpu.memref_slice %arg15[%dma_wait3A_78, %dma_wait3A_79] : memref<10240x128xf32, #tpu.memory_space<vmem_shared>> -> memref<10240x128xf32, #tpu.memory_space<vmem_shared>>
        tpu.wait_indirect_dma semaphore(%run_scoped3A : memref<!tpu.dma_semaphore, #tpu.memory_space<semaphore_mem>>) src(%arg9 : memref<128x128xf32, #tpu.memory_space<vmem>>) dst(%dma_wait3A_80 : memref<10240x128xf32, #tpu.memory_space<vmem_shared>>)
        tpu.yield
      }) : () -> ()
      %lt3A = arith.constant 19 : i32
      %lt3A_56 = arith.cmpi slt, %scan3A_39, %lt3A : i32
      %convert_element_type3A = arith.extui %lt3A_56 : i1 to i32
      %cond3A = arith.constant 0 : i32
      %cond3A_57 = arith.cmpi ne, %convert_element_type3A, %cond3A : i32
      scf.if %cond3A_57 {
        %add3A_69 = arith.constant 2 : i32
        %add3A_70 = arith.addi %mul3A_42, %add3A_69 : i32
        %dma_start3A_71 = arith.constant 0 : i32
        %dma_start3A_72 = tpu.memref_slice %arg8[%add3A_70, %dma_start3A_71] : memref<40x128xi32, #tpu.memory_space<vmem>> -> memref<1x128xi32, #tpu.memory_space<vmem>>
        %dma_start3A_73 = tpu.memref_squeeze %dma_start3A_72 : memref<1x128xi32, #tpu.memory_space<vmem>> -> memref<128xi32, #tpu.memory_space<vmem>>
        %dma_start3A_74 = arith.constant 0 : i32
        %dma_start3A_75 = arith.constant 0 : i32
        %dma_start3A_76 = tpu.memref_slice %arg2[%dma_start3A_74, %dma_start3A_75] : memref<20000x128xf32, #tpu.memory_space<hbm>> -> memref<20000x128xf32, #tpu.memory_space<hbm>>
        tpu.enqueue_indirect_dma source(%dma_start3A_76 : memref<20000x128xf32, #tpu.memory_space<hbm>>) target(%arg9 : memref<128x128xf32, #tpu.memory_space<vmem>>) offsets(%dma_start3A_73 : memref<128xi32, #tpu.memory_space<vmem>>) semaphore(%arg11 : memref<!tpu.dma_semaphore, #tpu.memory_space<semaphore_mem>>)
      } else {
      }
      %add3A_58 = arith.constant 1 : i32
      %add3A_59 = arith.addi %mul3A_42, %add3A_58 : i32
      %dma_wait3A_60 = arith.constant 0 : i32
      %dma_wait3A_61 = tpu.memref_slice %arg8[%add3A_59, %dma_wait3A_60] : memref<40x128xi32, #tpu.memory_space<vmem>> -> memref<1x128xi32, #tpu.memory_space<vmem>>
      %dma_wait3A_62 = tpu.memref_squeeze %dma_wait3A_61 : memref<1x128xi32, #tpu.memory_space<vmem>> -> memref<128xi32, #tpu.memory_space<vmem>>
      %dma_wait3A_63 = arith.constant 0 : i32
      %dma_wait3A_64 = arith.constant 0 : i32
      %dma_wait3A_65 = tpu.memref_slice %arg2[%dma_wait3A_63, %dma_wait3A_64] : memref<20000x128xf32, #tpu.memory_space<hbm>> -> memref<20000x128xf32, #tpu.memory_space<hbm>>
      tpu.wait_indirect_dma semaphore(%arg12 : memref<!tpu.dma_semaphore, #tpu.memory_space<semaphore_mem>>) src(%dma_wait3A_65 : memref<20000x128xf32, #tpu.memory_space<hbm>>) dst(%arg10 : memref<128x128xf32, #tpu.memory_space<vmem>>)
      %add3A_66 = arith.constant 1 : i32
      %add3A_67 = arith.addi %mul3A_42, %add3A_66 : i32
      "tpu.region"() ({
        %run_scoped3A = tpu.sem_alloc : memref<!tpu.dma_semaphore, #tpu.memory_space<semaphore_mem>>
        %dma_start3A_69 = arith.constant 0 : i32
        %dma_start3A_70 = tpu.memref_slice %arg7[%add3A_67, %dma_start3A_69] : memref<40x128xi32, #tpu.memory_space<vmem>> -> memref<1x128xi32, #tpu.memory_space<vmem>>
        %dma_start3A_71 = tpu.memref_squeeze %dma_start3A_70 : memref<1x128xi32, #tpu.memory_space<vmem>> -> memref<128xi32, #tpu.memory_space<vmem>>
        %dma_start3A_72 = arith.constant 0 : i32
        %dma_start3A_73 = arith.constant 0 : i32
        %dma_start3A_74 = tpu.memref_slice %arg15[%dma_start3A_72, %dma_start3A_73] : memref<10240x128xf32, #tpu.memory_space<vmem_shared>> -> memref<10240x128xf32, #tpu.memory_space<vmem_shared>>
        tpu.enqueue_indirect_dma source(%arg10 : memref<128x128xf32, #tpu.memory_space<vmem>>) target(%dma_start3A_74 : memref<10240x128xf32, #tpu.memory_space<vmem_shared>>) offsets(%dma_start3A_71 : memref<128xi32, #tpu.memory_space<vmem>>) semaphore(%run_scoped3A : memref<!tpu.dma_semaphore, #tpu.memory_space<semaphore_mem>>) {add = true}
        %dma_wait3A_75 = arith.constant 0 : i32
        %dma_wait3A_76 = tpu.memref_slice %arg7[%add3A_67, %dma_wait3A_75] : memref<40x128xi32, #tpu.memory_space<vmem>> -> memref<1x128xi32, #tpu.memory_space<vmem>>
        %dma_wait3A_77 = tpu.memref_squeeze %dma_wait3A_76 : memref<1x128xi32, #tpu.memory_space<vmem>> -> memref<128xi32, #tpu.memory_space<vmem>>
        %dma_wait3A_78 = arith.constant 0 : i32
        %dma_wait3A_79 = arith.constant 0 : i32
        %dma_wait3A_80 = tpu.memref_slice %arg15[%dma_wait3A_78, %dma_wait3A_79] : memref<10240x128xf32, #tpu.memory_space<vmem_shared>> -> memref<10240x128xf32, #tpu.memory_space<vmem_shared>>
        tpu.wait_indirect_dma semaphore(%run_scoped3A : memref<!tpu.dma_semaphore, #tpu.memory_space<semaphore_mem>>) src(%arg10 : memref<128x128xf32, #tpu.memory_space<vmem>>) dst(%dma_wait3A_80 : memref<10240x128xf32, #tpu.memory_space<vmem_shared>>)
        tpu.yield
      }) : () -> ()
      %scan3A_68 = arith.constant 0 : i32
      scf.yield %scan3A_68 : i32
    }
    %scan3A_33 = arith.constant 20 : i32
    %barrier3A_34 = arith.constant 0 : index
    tpu.barrier barrier_id(%barrier3A_34)
    %mul3A_35 = arith.constant 640 : i32
    %mul3A_36 = arith.muli %arg1, %mul3A_35 : i32
    %mul3A_37 = arith.constant 640 : i32
    %mul3A_38 = arith.muli %arg1, %mul3A_37 : i32
    "tpu.region"() ({
      %run_scoped3A = tpu.sem_alloc : memref<!tpu.dma_semaphore, #tpu.memory_space<semaphore_mem>>
      %dma_start3A_39 = arith.constant 0 : i32
      %dma_start3A_40 = tpu.memref_slice %arg6[%arg0, %mul3A_38, %dma_start3A_39] : memref<2x10240x128xf32, #tpu.memory_space<hbm>> -> memref<1x640x128xf32, #tpu.memory_space<hbm>>
      %dma_start3A_41 = tpu.memref_squeeze %dma_start3A_40 : memref<1x640x128xf32, #tpu.memory_space<hbm>> -> memref<640x128xf32, #tpu.memory_space<hbm>>
      %dma_start3A_42 = arith.constant 0 : i32
      %dma_start3A_43 = tpu.memref_slice %arg15[%mul3A_36, %dma_start3A_42] : memref<10240x128xf32, #tpu.memory_space<vmem_shared>> -> memref<640x128xf32, #tpu.memory_space<vmem_shared>>
      tpu.enqueue_dma source(%dma_start3A_43 : memref<640x128xf32, #tpu.memory_space<vmem_shared>>) target(%dma_start3A_41 : memref<640x128xf32, #tpu.memory_space<hbm>>) target_semaphore(%run_scoped3A : memref<!tpu.dma_semaphore, #tpu.memory_space<semaphore_mem>>)
      %dma_wait3A = arith.constant 0 : i32
      %dma_wait3A_44 = tpu.memref_slice %arg6[%arg0, %mul3A_38, %dma_wait3A] : memref<2x10240x128xf32, #tpu.memory_space<hbm>> -> memref<1x640x128xf32, #tpu.memory_space<hbm>>
      %dma_wait3A_45 = tpu.memref_squeeze %dma_wait3A_44 : memref<1x640x128xf32, #tpu.memory_space<hbm>> -> memref<640x128xf32, #tpu.memory_space<hbm>>
      %dma_wait3A_46 = arith.constant 0 : i32
      %dma_wait3A_47 = tpu.memref_slice %arg15[%mul3A_36, %dma_wait3A_46] : memref<10240x128xf32, #tpu.memory_space<vmem_shared>> -> memref<640x128xf32, #tpu.memory_space<vmem_shared>>
      tpu.wait_dma2 semaphore(%run_scoped3A : memref<!tpu.dma_semaphore, #tpu.memory_space<semaphore_mem>>) src(%dma_wait3A_47 : memref<640x128xf32, #tpu.memory_space<vmem_shared>>) dst(%dma_wait3A_45 : memref<640x128xf32, #tpu.memory_space<hbm>>)
      tpu.yield
    }) : () -> ()
    return
  }
}

#map = affine_map<(d0, d1) -> (0, 0, 0)>
module attributes {stable_mosaic.version = 14 : i64} {
  func.func @_deg_body(%arg0: i32, %arg1: i32, %arg2: memref<2x1280x128xi32, #tpu.memory_space<hbm>>, %arg3: memref<2x16x10240xf32, #tpu.memory_space<hbm>>, %arg4: memref<80x128xi32, #tpu.memory_space<vmem>>, %arg5: memref<10240xf32, #tpu.memory_space<vmem>>) attributes {dimension_semantics = [#tpu.dimension_semantics<core_parallel>, #tpu.dimension_semantics<subcore_parallel>], iteration_bounds = array<i64: 2, 16>, scalar_prefetch = 0 : i64, scratch_operands = 2 : i64, tpu.core_type = #tpu.core_type<sc_vector_subcore>, window_params = [{transform_indices = #map}, {transform_indices = #map}]} {
    %scan3A = arith.constant 0 : i32
    %scan3A_0 = arith.constant 0 : i32
    %scan3A_1 = arith.constant 640 : i32
    %scan3A_2 = arith.addi %scan3A_0, %scan3A_1 : i32
    %scan3A_3 = arith.constant 1 : i32
    %scan3A_4 = scf.for %scan3A_15 = %scan3A_0 to %scan3A_2 step %scan3A_3 iter_args(%scan3A_16 = %scan3A) -> (i32)  : i32 {
      %broadcast_in_dim3A_17 = arith.constant 0.000000e+00 : f32
      %broadcast_in_dim3A_18 = vector.broadcast %broadcast_in_dim3A_17 : f32 to vector<16xf32>
      %mul3A_19 = arith.constant 16 : i32
      %mul3A_20 = arith.muli %scan3A_15, %mul3A_19 : i32
      %swap3A = arith.index_cast %mul3A_20 : i32 to index
      %swap3A_21 = tpu.vector_load %arg5[%swap3A] {strides = array<i32>} : memref<10240xf32, #tpu.memory_space<vmem>>, vector<16xf32>,
      tpu.vector_store %arg5[%swap3A], %broadcast_in_dim3A_18 {strides = array<i32>} : memref<10240xf32, #tpu.memory_space<vmem>>, vector<16xf32>,
      %scan3A_22 = arith.constant 0 : i32
      scf.yield %scan3A_22 : i32
    }
    %scan3A_5 = arith.constant 640 : i32
    %mul3A = arith.constant 80 : i32
    %mul3A_6 = arith.muli %arg1, %mul3A : i32
    "tpu.region"() ({
      %run_scoped3A = tpu.sem_alloc : memref<!tpu.dma_semaphore, #tpu.memory_space<semaphore_mem>>
      %dma_start3A = arith.constant 0 : i32
      %dma_start3A_15 = tpu.memref_slice %arg2[%arg0, %mul3A_6, %dma_start3A] : memref<2x1280x128xi32, #tpu.memory_space<hbm>> -> memref<1x80x128xi32, #tpu.memory_space<hbm>>
      %dma_start3A_16 = tpu.memref_squeeze %dma_start3A_15 : memref<1x80x128xi32, #tpu.memory_space<hbm>> -> memref<80x128xi32, #tpu.memory_space<hbm>>
      %dma_start3A_17 = arith.constant 0 : i32
      %dma_start3A_18 = tpu.memref_slice %arg2[%arg0, %mul3A_6, %dma_start3A_17] : memref<2x1280x128xi32, #tpu.memory_space<hbm>> -> memref<1x80x128xi32, #tpu.memory_space<hbm>>
      %dma_start3A_19 = tpu.memref_squeeze %dma_start3A_18 : memref<1x80x128xi32, #tpu.memory_space<hbm>> -> memref<80x128xi32, #tpu.memory_space<hbm>>
      tpu.enqueue_dma source(%dma_start3A_19 : memref<80x128xi32, #tpu.memory_space<hbm>>) target(%arg4 : memref<80x128xi32, #tpu.memory_space<vmem>>) target_semaphore(%run_scoped3A : memref<!tpu.dma_semaphore, #tpu.memory_space<semaphore_mem>>)
      %dma_wait3A = arith.constant 0 : i32
      %dma_wait3A_20 = tpu.memref_slice %arg2[%arg0, %mul3A_6, %dma_wait3A] : memref<2x1280x128xi32, #tpu.memory_space<hbm>> -> memref<1x80x128xi32, #tpu.memory_space<hbm>>
      %dma_wait3A_21 = tpu.memref_squeeze %dma_wait3A_20 : memref<1x80x128xi32, #tpu.memory_space<hbm>> -> memref<80x128xi32, #tpu.memory_space<hbm>>
      %dma_wait3A_22 = arith.constant 0 : i32
      %dma_wait3A_23 = tpu.memref_slice %arg2[%arg0, %mul3A_6, %dma_wait3A_22] : memref<2x1280x128xi32, #tpu.memory_space<hbm>> -> memref<1x80x128xi32, #tpu.memory_space<hbm>>
      %dma_wait3A_24 = tpu.memref_squeeze %dma_wait3A_23 : memref<1x80x128xi32, #tpu.memory_space<hbm>> -> memref<80x128xi32, #tpu.memory_space<hbm>>
      tpu.wait_dma2 semaphore(%run_scoped3A : memref<!tpu.dma_semaphore, #tpu.memory_space<semaphore_mem>>) src(%dma_wait3A_24 : memref<80x128xi32, #tpu.memory_space<hbm>>) dst(%arg4 : memref<80x128xi32, #tpu.memory_space<vmem>>)
      tpu.yield
    }) : () -> ()
    %broadcast_in_dim3A = arith.constant 1.000000e+00 : f32
    %broadcast_in_dim3A_7 = vector.broadcast %broadcast_in_dim3A : f32 to vector<16xf32>
    %scan3A_8 = arith.constant 0 : i32
    %scan3A_9 = arith.constant 0 : i32
    %scan3A_10 = arith.constant 80 : i32
    %scan3A_11 = arith.addi %scan3A_9, %scan3A_10 : i32
    %scan3A_12 = arith.constant 1 : i32
    %scan3A_13 = scf.for %scan3A_15 = %scan3A_9 to %scan3A_11 step %scan3A_12 iter_args(%scan3A_16 = %scan3A_8) -> (i32)  : i32 {
      %scan3A_17 = arith.constant 0 : i32
      %scan3A_18 = arith.constant 0 : i32
      %scan3A_19 = arith.constant 8 : i32
      %scan3A_20 = arith.addi %scan3A_18, %scan3A_19 : i32
      %scan3A_21 = arith.constant 1 : i32
      %scan3A_22 = scf.for %scan3A_25 = %scan3A_18 to %scan3A_20 step %scan3A_21 iter_args(%scan3A_26 = %scan3A_17) -> (i32)  : i32 {
        %mul3A_27 = arith.constant 16 : i32
        %mul3A_28 = arith.muli %scan3A_25, %mul3A_27 : i32
        %get3A = arith.index_cast %scan3A_15 : i32 to index
        %get3A_29 = arith.index_cast %mul3A_28 : i32 to index
        %get3A_30 = tpu.vector_load %arg4[%get3A, %get3A_29] {strides = array<i32>} : memref<80x128xi32, #tpu.memory_space<vmem>>, vector<16xi32>,
        tpu.vector_store_idx %arg5[%get3A_30], %broadcast_in_dim3A_7 {add = true} : memref<10240xf32, #tpu.memory_space<vmem>>[vector<16xi32>], vector<16xf32>,
        %scan3A_31 = arith.constant 0 : i32
        scf.yield %scan3A_31 : i32
      }
      %scan3A_23 = arith.constant 8 : i32
      %scan3A_24 = arith.constant 0 : i32
      scf.yield %scan3A_24 : i32
    }
    %scan3A_14 = arith.constant 80 : i32
    "tpu.region"() ({
      %run_scoped3A = tpu.sem_alloc : memref<!tpu.dma_semaphore, #tpu.memory_space<semaphore_mem>>
      %dma_start3A = arith.constant 0 : i32
      %dma_start3A_15 = tpu.memref_slice %arg3[%arg0, %arg1, %dma_start3A] : memref<2x16x10240xf32, #tpu.memory_space<hbm>> -> memref<1x1x10240xf32, #tpu.memory_space<hbm>>
      %dma_start3A_16 = tpu.memref_squeeze %dma_start3A_15 : memref<1x1x10240xf32, #tpu.memory_space<hbm>> -> memref<10240xf32, #tpu.memory_space<hbm>>
      %dma_start3A_17 = arith.constant 0 : i32
      %dma_start3A_18 = tpu.memref_slice %arg3[%arg0, %arg1, %dma_start3A_17] : memref<2x16x10240xf32, #tpu.memory_space<hbm>> -> memref<1x1x10240xf32, #tpu.memory_space<hbm>>
      %dma_start3A_19 = tpu.memref_squeeze %dma_start3A_18 : memref<1x1x10240xf32, #tpu.memory_space<hbm>> -> memref<10240xf32, #tpu.memory_space<hbm>>
      tpu.enqueue_dma source(%arg5 : memref<10240xf32, #tpu.memory_space<vmem>>) target(%dma_start3A_19 : memref<10240xf32, #tpu.memory_space<hbm>>) target_semaphore(%run_scoped3A : memref<!tpu.dma_semaphore, #tpu.memory_space<semaphore_mem>>)
      %dma_wait3A = arith.constant 0 : i32
      %dma_wait3A_20 = tpu.memref_slice %arg3[%arg0, %arg1, %dma_wait3A] : memref<2x16x10240xf32, #tpu.memory_space<hbm>> -> memref<1x1x10240xf32, #tpu.memory_space<hbm>>
      %dma_wait3A_21 = tpu.memref_squeeze %dma_wait3A_20 : memref<1x1x10240xf32, #tpu.memory_space<hbm>> -> memref<10240xf32, #tpu.memory_space<hbm>>
      %dma_wait3A_22 = arith.constant 0 : i32
      %dma_wait3A_23 = tpu.memref_slice %arg3[%arg0, %arg1, %dma_wait3A_22] : memref<2x16x10240xf32, #tpu.memory_space<hbm>> -> memref<1x1x10240xf32, #tpu.memory_space<hbm>>
      %dma_wait3A_24 = tpu.memref_squeeze %dma_wait3A_23 : memref<1x1x10240xf32, #tpu.memory_space<hbm>> -> memref<10240xf32, #tpu.memory_space<hbm>>
      tpu.wait_dma2 semaphore(%run_scoped3A : memref<!tpu.dma_semaphore, #tpu.memory_space<semaphore_mem>>) src(%arg5 : memref<10240xf32, #tpu.memory_space<vmem>>) dst(%dma_wait3A_24 : memref<10240xf32, #tpu.memory_space<hbm>>)
      tpu.yield
    }) : () -> ()
    return
  }
}

module attributes {stable_mosaic.version = 14 : i64} {
  func.func @_h_body(%arg0: i32, %arg1: memref<5000x128xf32, #tpu.memory_space<vmem>>, %arg2: memref<128x128xf32, #tpu.memory_space<vmem>>, %arg3: memref<1x5000x16xf32, #tpu.memory_space<vmem>>, %arg4: memref<5000x128xf32, #tpu.memory_space<vmem>>) attributes {dimension_semantics = [#tpu.dimension_semantics<arbitrary>], iteration_bounds = array<i64: 4>, scalar_prefetch = 0 : i64, scratch_operands = 0 : i64, tpu.core_type = #tpu.core_type<tc>, window_params = [{transform_indices = @transform_0, window_bounds = array<i64: 5000, 128>}, {pipeline_mode = #tpu.pipeline_mode<synchronous>, transform_indices = @transform_1, window_bounds = array<i64: 128, 128>}, {transform_indices = @transform_2, window_bounds = array<i64: 1, 5000, 16>}, {transform_indices = @transform_3, window_bounds = array<i64: 5000, 128>}]} {
    %get3A = arith.constant 0 : index
    %get3A_0 = arith.constant 0 : index
    %get3A_1 = arith.constant 0 : index
    %get3A_2 = vector.load %arg3[%get3A, %get3A_0, %get3A_1] : memref<1x5000x16xf32, #tpu.memory_space<vmem>>, vector<1x5000x16xf32>
    %squeeze3A = vector.shape_cast %get3A_2 : vector<1x5000x16xf32> to vector<5000x16xf32>
    %reduce_sum3A = arith.constant dense<0.000000e+00> : vector<5000xf32>
    %reduce_sum3A_3 = vector.multi_reduction <add>, %squeeze3A, %reduce_sum3A [1] : vector<5000x16xf32> to vector<5000xf32>
    %add3A = arith.constant 9.99999997E-7 : f32
    %add3A_4 = vector.broadcast %add3A : f32 to vector<5000xf32>
    %add3A_5 = arith.addf %reduce_sum3A_3, %add3A_4 : vector<5000xf32>
    %rsqrt3A = math.rsqrt %add3A_5 : vector<5000xf32>
    %broadcast_in_dim3A = vector.shape_cast %rsqrt3A : vector<5000xf32> to vector<5000x1xf32>
    %get3A_6 = arith.constant 0 : index
    %get3A_7 = arith.constant 0 : index
    %get3A_8 = vector.load %arg1[%get3A_6, %get3A_7] : memref<5000x128xf32, #tpu.memory_space<vmem>>, vector<5000x128xf32>
    %get3A_9 = arith.constant 0 : index
    %get3A_10 = arith.constant 0 : index
    %get3A_11 = vector.load %arg2[%get3A_9, %get3A_10] : memref<128x128xf32, #tpu.memory_space<vmem>>, vector<128x128xf32>
    %dot_general3A = arith.constant dense<0.000000e+00> : vector<5000x128xf32>
    %dot_general3A_12 = tpu.matmul %get3A_8, %get3A_11, %dot_general3A {dimension_numbers = #tpu.dot_dimension_numbers<[1], [0], [0], [1], [0, 0, 1, 1], [], []>, transpose_lhs_hint = false} : vector<5000x128xf32>, vector<128x128xf32>, vector<5000x128xf32> -> vector<5000x128xf32>
    %mul3A = vector.broadcast %broadcast_in_dim3A : vector<5000x1xf32> to vector<5000x128xf32>
    %mul3A_13 = arith.mulf %dot_general3A_12, %mul3A : vector<5000x128xf32>
    %swap3A = arith.constant 0 : index
    %swap3A_14 = arith.constant 0 : index
    %swap3A_15 = vector.load %arg4[%swap3A, %swap3A_14] : memref<5000x128xf32, #tpu.memory_space<vmem>>, vector<5000x128xf32>
    tpu.vector_store %arg4[%swap3A, %swap3A_14], %mul3A_13 {strides = array<i32>} : memref<5000x128xf32, #tpu.memory_space<vmem>>, vector<5000x128xf32>,
    return
  }
  func.func @transform_0(%arg0: i32) -> (i32, i32) {
    %c0_i32 = arith.constant 0 : i32
    %c0_i32_0 = arith.constant 0 : i32
    return %arg0, %c0_i32 : i32, i32
  }
  func.func @transform_1(%arg0: i32) -> (i32, i32) {
    %c0_i32 = arith.constant 0 : i32
    %c0_i32_0 = arith.constant 0 : i32
    %c0_i32_1 = arith.constant 0 : i32
    return %c0_i32, %c0_i32_0 : i32, i32
  }
  func.func @transform_2(%arg0: i32) -> (i32, i32, i32) {
    %jit3A = arith.constant 2 : i32
    %div3A = arith.divsi %arg0, %jit3A : i32
    %sign3A = arith.constant 0 : i32
    %sign3A_0 = arith.cmpi sgt, %arg0, %sign3A : i32
    %sign3A_1 = arith.extui %sign3A_0 : i1 to i32
    %sign3A_2 = arith.constant 0 : i32
    %sign3A_3 = arith.cmpi slt, %arg0, %sign3A_2 : i32
    %sign3A_4 = arith.extui %sign3A_3 : i1 to i32
    %sign3A_5 = arith.subi %sign3A_1, %sign3A_4 : i32
    %sign3A_6 = arith.constant 0 : i32
    %sign3A_7 = arith.cmpi sgt, %jit3A, %sign3A_6 : i32
    %sign3A_8 = arith.extui %sign3A_7 : i1 to i32
    %sign3A_9 = arith.constant 0 : i32
    %sign3A_10 = arith.cmpi slt, %jit3A, %sign3A_9 : i32
    %sign3A_11 = arith.extui %sign3A_10 : i1 to i32
    %sign3A_12 = arith.subi %sign3A_8, %sign3A_11 : i32
    %ne3A = arith.cmpi ne, %sign3A_5, %sign3A_12 : i32
    %rem3A = arith.remsi %arg0, %jit3A : i32
    %ne3A_13 = arith.constant 0 : i32
    %ne3A_14 = arith.cmpi ne, %rem3A, %ne3A_13 : i32
    %and3A = arith.andi %ne3A, %ne3A_14 : i1
    %sub3A = arith.constant 1 : i32
    %sub3A_15 = arith.subi %div3A, %sub3A : i32
    %select_n3A = arith.select %and3A, %sub3A_15, %div3A : i32
    %jit3A_16 = arith.constant 2 : i32
    %eq3A = arith.constant 0 : i32
    %eq3A_17 = arith.cmpi eq, %jit3A_16, %eq3A : i32
    %jit3A_18 = arith.constant 1 : i32
    %select_n3A_19 = arith.select %eq3A_17, %jit3A_18, %jit3A_16 : i32
    %rem3A_20 = arith.remsi %arg0, %select_n3A_19 : i32
    %ne3A_21 = arith.constant 0 : i32
    %ne3A_22 = arith.cmpi ne, %rem3A_20, %ne3A_21 : i32
    %lt3A = arith.constant 0 : i32
    %lt3A_23 = arith.cmpi slt, %rem3A_20, %lt3A : i32
    %lt3A_24 = arith.constant 0 : i32
    %lt3A_25 = arith.cmpi slt, %select_n3A_19, %lt3A_24 : i32
    %ne3A_26 = arith.xori %lt3A_23, %lt3A_25 : i1
    %and3A_27 = arith.andi %ne3A_26, %ne3A_22 : i1
    %add3A = arith.addi %rem3A_20, %select_n3A_19 : i32
    %select_n3A_28 = arith.select %and3A_27, %add3A, %rem3A_20 : i32
    %c0_i32 = arith.constant 0 : i32
    %c0_i32_29 = arith.constant 0 : i32
    return %select_n3A, %select_n3A_28, %c0_i32 : i32, i32, i32
  }
  func.func @transform_3(%arg0: i32) -> (i32, i32) {
    %c0_i32 = arith.constant 0 : i32
    %c0_i32_0 = arith.constant 0 : i32
    return %arg0, %c0_i32 : i32, i32
  }
}

module attributes {stable_mosaic.version = 14 : i64} {
  func.func @_pre_body(%arg0: i32, %arg1: memref<5000x128xf32, #tpu.memory_space<vmem>>, %arg2: memref<128x128xf32, #tpu.memory_space<vmem>>, %arg3: memref<1x128xf32, #tpu.memory_space<vmem>>, %arg4: memref<128x128xf32, #tpu.memory_space<vmem>>, %arg5: memref<5000x128xf32, #tpu.memory_space<vmem>>, %arg6: memref<5000x128xf32, #tpu.memory_space<vmem>>) attributes {dimension_semantics = [#tpu.dimension_semantics<arbitrary>], iteration_bounds = array<i64: 4>, scalar_prefetch = 0 : i64, scratch_operands = 0 : i64, tpu.core_type = #tpu.core_type<tc>, window_params = [{transform_indices = @transform_0, window_bounds = array<i64: 5000, 128>}, {pipeline_mode = #tpu.pipeline_mode<synchronous>, transform_indices = @transform_1, window_bounds = array<i64: 128, 128>}, {pipeline_mode = #tpu.pipeline_mode<synchronous>, transform_indices = @transform_2, window_bounds = array<i64: 1, 128>}, {pipeline_mode = #tpu.pipeline_mode<synchronous>, transform_indices = @transform_3, window_bounds = array<i64: 128, 128>}, {transform_indices = @transform_4, window_bounds = array<i64: 5000, 128>}, {transform_indices = @transform_5, window_bounds = array<i64: 5000, 128>}]} {
    %get3A = arith.constant 0 : index
    %get3A_0 = arith.constant 0 : index
    %get3A_1 = vector.load %arg1[%get3A, %get3A_0] : memref<5000x128xf32, #tpu.memory_space<vmem>>, vector<5000x128xf32>
    %get3A_2 = arith.constant 0 : index
    %get3A_3 = arith.constant 0 : index
    %get3A_4 = vector.load %arg2[%get3A_2, %get3A_3] : memref<128x128xf32, #tpu.memory_space<vmem>>, vector<128x128xf32>
    %dot_general3A = arith.constant dense<0.000000e+00> : vector<5000x128xf32>
    %dot_general3A_5 = tpu.matmul %get3A_1, %get3A_4, %dot_general3A {dimension_numbers = #tpu.dot_dimension_numbers<[1], [0], [0], [1], [0, 0, 1, 1], [], []>, transpose_lhs_hint = false} : vector<5000x128xf32>, vector<128x128xf32>, vector<5000x128xf32> -> vector<5000x128xf32>
    %get3A_6 = arith.constant 0 : index
    %get3A_7 = arith.constant 0 : index
    %get3A_8 = vector.load %arg3[%get3A_6, %get3A_7] : memref<1x128xf32, #tpu.memory_space<vmem>>, vector<1x128xf32>
    %add3A = vector.broadcast %get3A_8 : vector<1x128xf32> to vector<5000x128xf32>
    %add3A_9 = arith.addf %dot_general3A_5, %add3A : vector<5000x128xf32>
    %logistic3A = arith.negf %add3A_9 : vector<5000x128xf32>
    %logistic3A_10 = math.exp %logistic3A : vector<5000x128xf32>
    %logistic3A_11 = arith.constant 1.000000e+00 : f32
    %logistic3A_12 = vector.broadcast %logistic3A_11 : f32 to vector<5000x128xf32>
    %logistic3A_13 = arith.addf %logistic3A_12, %logistic3A_10 : vector<5000x128xf32>
    %logistic3A_14 = arith.divf %logistic3A_12, %logistic3A_13 : vector<5000x128xf32>
    %swap3A = arith.constant 0 : index
    %swap3A_15 = arith.constant 0 : index
    %swap3A_16 = vector.load %arg5[%swap3A, %swap3A_15] : memref<5000x128xf32, #tpu.memory_space<vmem>>, vector<5000x128xf32>
    tpu.vector_store %arg5[%swap3A, %swap3A_15], %logistic3A_14 {strides = array<i32>} : memref<5000x128xf32, #tpu.memory_space<vmem>>, vector<5000x128xf32>,
    %sub3A = arith.constant 1.000000e+00 : f32
    %sub3A_17 = vector.broadcast %sub3A : f32 to vector<5000x128xf32>
    %sub3A_18 = arith.subf %sub3A_17, %logistic3A_14 : vector<5000x128xf32>
    %get3A_19 = arith.constant 0 : index
    %get3A_20 = arith.constant 0 : index
    %get3A_21 = vector.load %arg4[%get3A_19, %get3A_20] : memref<128x128xf32, #tpu.memory_space<vmem>>, vector<128x128xf32>
    %dot_general3A_22 = arith.constant dense<0.000000e+00> : vector<5000x128xf32>
    %dot_general3A_23 = tpu.matmul %get3A_1, %get3A_21, %dot_general3A_22 {dimension_numbers = #tpu.dot_dimension_numbers<[1], [0], [0], [1], [0, 0, 1, 1], [], []>, transpose_lhs_hint = false} : vector<5000x128xf32>, vector<128x128xf32>, vector<5000x128xf32> -> vector<5000x128xf32>
    %mul3A = arith.mulf %sub3A_18, %dot_general3A_23 : vector<5000x128xf32>
    %swap3A_24 = arith.constant 0 : index
    %swap3A_25 = arith.constant 0 : index
    %swap3A_26 = vector.load %arg6[%swap3A_24, %swap3A_25] : memref<5000x128xf32, #tpu.memory_space<vmem>>, vector<5000x128xf32>
    tpu.vector_store %arg6[%swap3A_24, %swap3A_25], %mul3A {strides = array<i32>} : memref<5000x128xf32, #tpu.memory_space<vmem>>, vector<5000x128xf32>,
    return
  }
  func.func @transform_0(%arg0: i32) -> (i32, i32) {
    %c0_i32 = arith.constant 0 : i32
    %c0_i32_0 = arith.constant 0 : i32
    return %arg0, %c0_i32 : i32, i32
  }
  func.func @transform_1(%arg0: i32) -> (i32, i32) {
    %c0_i32 = arith.constant 0 : i32
    %c0_i32_0 = arith.constant 0 : i32
    %c0_i32_1 = arith.constant 0 : i32
    return %c0_i32, %c0_i32_0 : i32, i32
  }
  func.func @transform_2(%arg0: i32) -> (i32, i32) {
    %c0_i32 = arith.constant 0 : i32
    %c0_i32_0 = arith.constant 0 : i32
    %c0_i32_1 = arith.constant 0 : i32
    return %c0_i32, %c0_i32_0 : i32, i32
  }
  func.func @transform_3(%arg0: i32) -> (i32, i32) {
    %c0_i32 = arith.constant 0 : i32
    %c0_i32_0 = arith.constant 0 : i32
    %c0_i32_1 = arith.constant 0 : i32
    return %c0_i32, %c0_i32_0 : i32, i32
  }
  func.func @transform_4(%arg0: i32) -> (i32, i32) {
    %c0_i32 = arith.constant 0 : i32
    %c0_i32_0 = arith.constant 0 : i32
    return %arg0, %c0_i32 : i32, i32
  }
  func.func @transform_5(%arg0: i32) -> (i32, i32) {
    %c0_i32 = arith.constant 0 : i32
    %c0_i32_0 = arith.constant 0 : i32
    return %arg0, %c0_i32 : i32, i32
  }
}

module attributes {stable_mosaic.version = 14 : i64} {
  func.func @_post_body(%arg0: i32, %arg1: memref<5000x128xf32, #tpu.memory_space<vmem>>, %arg2: memref<5000x128xf32, #tpu.memory_space<vmem>>, %arg3: memref<1x5000x128xf32, #tpu.memory_space<vmem>>, %arg4: memref<1x5000x16xf32, #tpu.memory_space<vmem>>, %arg5: memref<5000x128xf32, #tpu.memory_space<vmem>>) attributes {dimension_semantics = [#tpu.dimension_semantics<arbitrary>], iteration_bounds = array<i64: 4>, scalar_prefetch = 0 : i64, scratch_operands = 0 : i64, tpu.core_type = #tpu.core_type<tc>, window_params = [{transform_indices = @transform_0, window_bounds = array<i64: 5000, 128>}, {transform_indices = @transform_1, window_bounds = array<i64: 5000, 128>}, {transform_indices = @transform_2, window_bounds = array<i64: 1, 5000, 128>}, {transform_indices = @transform_3, window_bounds = array<i64: 1, 5000, 16>}, {transform_indices = @transform_4, window_bounds = array<i64: 5000, 128>}]} {
    %get3A = arith.constant 0 : index
    %get3A_0 = arith.constant 0 : index
    %get3A_1 = arith.constant 0 : index
    %get3A_2 = vector.load %arg4[%get3A, %get3A_0, %get3A_1] : memref<1x5000x16xf32, #tpu.memory_space<vmem>>, vector<1x5000x16xf32>
    %squeeze3A = vector.shape_cast %get3A_2 : vector<1x5000x16xf32> to vector<5000x16xf32>
    %reduce_sum3A = arith.constant dense<0.000000e+00> : vector<5000xf32>
    %reduce_sum3A_3 = vector.multi_reduction <add>, %squeeze3A, %reduce_sum3A [1] : vector<5000x16xf32> to vector<5000xf32>
    %add3A = arith.constant 9.99999997E-7 : f32
    %add3A_4 = vector.broadcast %add3A : f32 to vector<5000xf32>
    %add3A_5 = arith.addf %reduce_sum3A_3, %add3A_4 : vector<5000xf32>
    %rsqrt3A = math.rsqrt %add3A_5 : vector<5000xf32>
    %broadcast_in_dim3A = vector.shape_cast %rsqrt3A : vector<5000xf32> to vector<5000x1xf32>
    %get3A_6 = arith.constant 0 : index
    %get3A_7 = arith.constant 0 : index
    %get3A_8 = vector.load %arg1[%get3A_6, %get3A_7] : memref<5000x128xf32, #tpu.memory_space<vmem>>, vector<5000x128xf32>
    %get3A_9 = arith.constant 0 : index
    %get3A_10 = arith.constant 0 : index
    %get3A_11 = arith.constant 0 : index
    %get3A_12 = vector.load %arg3[%get3A_9, %get3A_10, %get3A_11] : memref<1x5000x128xf32, #tpu.memory_space<vmem>>, vector<1x5000x128xf32>
    %squeeze3A_13 = vector.shape_cast %get3A_12 : vector<1x5000x128xf32> to vector<5000x128xf32>
    %mul3A = vector.broadcast %broadcast_in_dim3A : vector<5000x1xf32> to vector<5000x128xf32>
    %mul3A_14 = arith.mulf %squeeze3A_13, %mul3A : vector<5000x128xf32>
    %mul3A_15 = arith.mulf %get3A_8, %mul3A_14 : vector<5000x128xf32>
    %get3A_16 = arith.constant 0 : index
    %get3A_17 = arith.constant 0 : index
    %get3A_18 = vector.load %arg2[%get3A_16, %get3A_17] : memref<5000x128xf32, #tpu.memory_space<vmem>>, vector<5000x128xf32>
    %add3A_19 = arith.addf %mul3A_15, %get3A_18 : vector<5000x128xf32>
    %swap3A = arith.constant 0 : index
    %swap3A_20 = arith.constant 0 : index
    %swap3A_21 = vector.load %arg5[%swap3A, %swap3A_20] : memref<5000x128xf32, #tpu.memory_space<vmem>>, vector<5000x128xf32>
    tpu.vector_store %arg5[%swap3A, %swap3A_20], %add3A_19 {strides = array<i32>} : memref<5000x128xf32, #tpu.memory_space<vmem>>, vector<5000x128xf32>,
    return
  }
  func.func @transform_0(%arg0: i32) -> (i32, i32) {
    %c0_i32 = arith.constant 0 : i32
    %c0_i32_0 = arith.constant 0 : i32
    return %arg0, %c0_i32 : i32, i32
  }
  func.func @transform_1(%arg0: i32) -> (i32, i32) {
    %c0_i32 = arith.constant 0 : i32
    %c0_i32_0 = arith.constant 0 : i32
    return %arg0, %c0_i32 : i32, i32
  }
  func.func @transform_2(%arg0: i32) -> (i32, i32, i32) {
    %jit3A = arith.constant 2 : i32
    %div3A = arith.divsi %arg0, %jit3A : i32
    %sign3A = arith.constant 0 : i32
    %sign3A_0 = arith.cmpi sgt, %arg0, %sign3A : i32
    %sign3A_1 = arith.extui %sign3A_0 : i1 to i32
    %sign3A_2 = arith.constant 0 : i32
    %sign3A_3 = arith.cmpi slt, %arg0, %sign3A_2 : i32
    %sign3A_4 = arith.extui %sign3A_3 : i1 to i32
    %sign3A_5 = arith.subi %sign3A_1, %sign3A_4 : i32
    %sign3A_6 = arith.constant 0 : i32
    %sign3A_7 = arith.cmpi sgt, %jit3A, %sign3A_6 : i32
    %sign3A_8 = arith.extui %sign3A_7 : i1 to i32
    %sign3A_9 = arith.constant 0 : i32
    %sign3A_10 = arith.cmpi slt, %jit3A, %sign3A_9 : i32
    %sign3A_11 = arith.extui %sign3A_10 : i1 to i32
    %sign3A_12 = arith.subi %sign3A_8, %sign3A_11 : i32
    %ne3A = arith.cmpi ne, %sign3A_5, %sign3A_12 : i32
    %rem3A = arith.remsi %arg0, %jit3A : i32
    %ne3A_13 = arith.constant 0 : i32
    %ne3A_14 = arith.cmpi ne, %rem3A, %ne3A_13 : i32
    %and3A = arith.andi %ne3A, %ne3A_14 : i1
    %sub3A = arith.constant 1 : i32
    %sub3A_15 = arith.subi %div3A, %sub3A : i32
    %select_n3A = arith.select %and3A, %sub3A_15, %div3A : i32
    %jit3A_16 = arith.constant 2 : i32
    %eq3A = arith.constant 0 : i32
    %eq3A_17 = arith.cmpi eq, %jit3A_16, %eq3A : i32
    %jit3A_18 = arith.constant 1 : i32
    %select_n3A_19 = arith.select %eq3A_17, %jit3A_18, %jit3A_16 : i32
    %rem3A_20 = arith.remsi %arg0, %select_n3A_19 : i32
    %ne3A_21 = arith.constant 0 : i32
    %ne3A_22 = arith.cmpi ne, %rem3A_20, %ne3A_21 : i32
    %lt3A = arith.constant 0 : i32
    %lt3A_23 = arith.cmpi slt, %rem3A_20, %lt3A : i32
    %lt3A_24 = arith.constant 0 : i32
    %lt3A_25 = arith.cmpi slt, %select_n3A_19, %lt3A_24 : i32
    %ne3A_26 = arith.xori %lt3A_23, %lt3A_25 : i1
    %and3A_27 = arith.andi %ne3A_26, %ne3A_22 : i1
    %add3A = arith.addi %rem3A_20, %select_n3A_19 : i32
    %select_n3A_28 = arith.select %and3A_27, %add3A, %rem3A_20 : i32
    %c0_i32 = arith.constant 0 : i32
    %c0_i32_29 = arith.constant 0 : i32
    return %select_n3A, %select_n3A_28, %c0_i32 : i32, i32, i32
  }
  func.func @transform_3(%arg0: i32) -> (i32, i32, i32) {
    %jit3A = arith.constant 2 : i32
    %div3A = arith.divsi %arg0, %jit3A : i32
    %sign3A = arith.constant 0 : i32
    %sign3A_0 = arith.cmpi sgt, %arg0, %sign3A : i32
    %sign3A_1 = arith.extui %sign3A_0 : i1 to i32
    %sign3A_2 = arith.constant 0 : i32
    %sign3A_3 = arith.cmpi slt, %arg0, %sign3A_2 : i32
    %sign3A_4 = arith.extui %sign3A_3 : i1 to i32
    %sign3A_5 = arith.subi %sign3A_1, %sign3A_4 : i32
    %sign3A_6 = arith.constant 0 : i32
    %sign3A_7 = arith.cmpi sgt, %jit3A, %sign3A_6 : i32
    %sign3A_8 = arith.extui %sign3A_7 : i1 to i32
    %sign3A_9 = arith.constant 0 : i32
    %sign3A_10 = arith.cmpi slt, %jit3A, %sign3A_9 : i32
    %sign3A_11 = arith.extui %sign3A_10 : i1 to i32
    %sign3A_12 = arith.subi %sign3A_8, %sign3A_11 : i32
    %ne3A = arith.cmpi ne, %sign3A_5, %sign3A_12 : i32
    %rem3A = arith.remsi %arg0, %jit3A : i32
    %ne3A_13 = arith.constant 0 : i32
    %ne3A_14 = arith.cmpi ne, %rem3A, %ne3A_13 : i32
    %and3A = arith.andi %ne3A, %ne3A_14 : i1
    %sub3A = arith.constant 1 : i32
    %sub3A_15 = arith.subi %div3A, %sub3A : i32
    %select_n3A = arith.select %and3A, %sub3A_15, %div3A : i32
    %jit3A_16 = arith.constant 2 : i32
    %eq3A = arith.constant 0 : i32
    %eq3A_17 = arith.cmpi eq, %jit3A_16, %eq3A : i32
    %jit3A_18 = arith.constant 1 : i32
    %select_n3A_19 = arith.select %eq3A_17, %jit3A_18, %jit3A_16 : i32
    %rem3A_20 = arith.remsi %arg0, %select_n3A_19 : i32
    %ne3A_21 = arith.constant 0 : i32
    %ne3A_22 = arith.cmpi ne, %rem3A_20, %ne3A_21 : i32
    %lt3A = arith.constant 0 : i32
    %lt3A_23 = arith.cmpi slt, %rem3A_20, %lt3A : i32
    %lt3A_24 = arith.constant 0 : i32
    %lt3A_25 = arith.cmpi slt, %select_n3A_19, %lt3A_24 : i32
    %ne3A_26 = arith.xori %lt3A_23, %lt3A_25 : i1
    %and3A_27 = arith.andi %ne3A_26, %ne3A_22 : i1
    %add3A = arith.addi %rem3A_20, %select_n3A_19 : i32
    %select_n3A_28 = arith.select %and3A_27, %add3A, %rem3A_20 : i32
    %c0_i32 = arith.constant 0 : i32
    %c0_i32_29 = arith.constant 0 : i32
    return %select_n3A, %select_n3A_28, %c0_i32 : i32, i32, i32
  }
  func.func @transform_4(%arg0: i32) -> (i32, i32) {
    %c0_i32 = arith.constant 0 : i32
    %c0_i32_0 = arith.constant 0 : i32
    return %arg0, %c0_i32 : i32, i32
  }
}

</mosaic_0001>

<sc_bundles>
// kernel: kernel.10.cloned.1.call-start
scs
__scs_entry_jumppad:
0x0: {  	(pc) =	sbr.rel $0x88, $3  }
0x1: {  	(tag) =	ssettag $0x0;
	lr =	simm.s32 $0x1  }
0x2: {  	[smem:$0x3F9A] =	sst lr;
	_ =	strace $0xD0000000  }
0x3: {  	_ = 	snop  }
0x4: {  	_ = 	snop  }
0x5: {  	_ = 	snop  }
0x6: {  	_ = 	snop  }
0x7: {  	_ = 	snop  }
__scs_overlays_trampoline_lowered:
0x8: {  	[smem:$0x3FA9] =	sst s0  }
0x9: {  	[smem:$0x3FAA] =	sst s1  }
0xa: {  	[smem:$0x3FAB] =	sst s2  }
0xb: {  	[smem:$0x3FAC] =	sst s3  }
0xc: {  	[smem:$0x3FAD] =	sst s4  }
0xd: {  	[smem:$0x3FAE] =	sst s5  }
0xe: {  	[smem:$0x3FAF] =	sst s6  }
0xf: {  	[smem:$0x3FB0] =	sst s7  }
0x10: {  	[smem:$0x3FB1] =	sst s8  }
0x11: {  	[smem:$0x3FB2] =	sst s9;
	s0 =	simm.s32 @!p0 $0x0  }
0x12: {  	s1 =	sld [smem:$0x3F98];
	s0 =	simm.s32 @p0 $0x1  }
0x13: {  	[smem:$0x3FB3] =	sst s0;
	s0 =	simm.s32 @!p1 $0x0  }
0x14: {  	s2 =	sld [smem:$0x3F97];
	s0 =	simm.s32 @p1 $0x1  }
0x15: {  	[smem:$0x3FB4] =	sst s0;
	s0 =	simm.s32 @!p2 $0x0  }
0x16: {  	s3 =	sld [smem:$0x3FDB];
	s0 =	simm.s32 @p2 $0x1  }
0x17: {  	s4 =	simm.s32 $0x1BF5;
	[smem:$0x3FB6] =	sst s0  }
0x18: {  	s0 =	sld [smem:$0x3F99];
	_ =	swait.ge [sflag:s4], $0x0  }
0x19: {  	s7 =	sld [smem:$0x3F9A]  }
0x1a: {  	s8 =	sadd.s32 $0xFFFFE003, lr  }
0x1b: {  	s9 =	sadd.s32 $0xFFFFFEF7, lr;
	s5 =	simm.s32 $0xFFFFFFFF;
	p2 =	slt.u32 s8, $0xFFFFF086  }
0x1c: {  	p1 =	slt.u32 s9, $0xF7A;
	s5 =	simm.s32 @!p2 $0x0  }
0x1d: {  	s5 =	simm.s32 @p1 $0x1;
	p0 =	seq.s32 s7, s2  }
0x1e: {  	s7 =	smul.u32 @!p0 $0xF7A, s2;
	p2 =	seq.s32 @!p0 s5, $0x0  }
0x1f: {  	s9 =	smul.u32 $0xF7A, s1;
	s8 =	simm.s32 @!p0 $0x1BF5;
	p2 =	por !p2, p0  }
0x20: {  	[sflag:s8] =	ssyncset.s32 @!p0 $0xFFFFF086;
	s6 =	sadd.s32 @!p0 s3, s7;
	s7 =	simm.s32 @!p0 $0x108  }
0x21: {  	s3 =	sadd.s32 s3, s9;
	s6 =	sadd.s32 @!p0 $0x88, s6;
	s7 =	simm.s32 @p2 $0x1082  }
0x22: {  	[simem:s7], [sflag:s8] =	dma.local @!p0 [hbm:s6], $0xF7A  }
0x23: {  	s9 =	sor.u32 $0xD0000000, s2;
	s6 =	simm.s32 $0x108;
	_ =	swait.ge @!p0 [sflag:s8], $0x0  }
0x24: {  	s3 =	sadd.s32 $0x88, s3;
	s6 =	simm.s32 @!p1 $0x1082;
	[sflag:s4] =	ssyncset.s32 $0xFFFFF086  }
0x25: {  	[simem:s6], [sflag:s4] =	dma.local [hbm:s3], $0xF7A  }
0x26: {  	[smem:$0x3F9A] =	sst s1;
	(tag) =	ssettag s2;
	_ =	strace s9  }
0x27: {  	s1 =	sld [smem:$0x3FAA]  }
0x28: {  	s2 =	sld [smem:$0x3FAB]  }
0x29: {  	s4 =	sld [smem:$0x3FAD]  }
0x2a: {  	p0 =	seq.s32 s5, $0x0;
	s5 =	sld [smem:$0x3FAE]  }
0x2b: {  	s6 =	sld [smem:$0x3FAF]  }
0x2c: {  	s7 =	sld [smem:$0x3FB0]  }
0x2d: {  	s3 =	simm.s32 $0x108;
	s8 =	sld [smem:$0x3FB1]  }
0x2e: {  	s3 =	simm.s32 @!p0 $0x1082;
	s9 =	sld [smem:$0x3FB2]  }
0x2f: {  	lr =	sadd.s32 s0, s3;
	s0 =	sld [smem:$0x3FA9]  }
0x30: {  	s3 =	sld [smem:$0x3FAC]  }
0x31: {  	[smem:$0x3FB5] =	sst s10  }
0x32: {  	s10 =	sld [smem:$0x3FB3];
	_ =	sdelay $0x3  }
0x33: {  	p0 =	seq.s32 s10, $0x1;
	s10 =	sld [smem:$0x3FB5];
	_ =	sdelay $0x3  }
0x34: {  	[smem:$0x3FB5] =	sst s10  }
0x35: {  	s10 =	sld [smem:$0x3FB4];
	_ =	sdelay $0x3  }
0x36: {  	p1 =	seq.s32 s10, $0x1;
	s10 =	sld [smem:$0x3FB5];
	_ =	sdelay $0x3  }
0x37: {  	[smem:$0x3FB5] =	sst s10  }
0x38: {  	s10 =	sld [smem:$0x3FB6]  }
0x39: {  	_ = 	snop;
	(pc) =	sbr.ind lr, $3  }
0x3a: {  	_ = 	snop  }
0x3b: {  	_ = 	snop  }
0x3c: {  	p2 =	seq.s32 s10, $0x1;
	s10 =	sld [smem:$0x3FB5]  }
0x3d: {  	_ =	shalt  }
0x3e: {  	_ =	shalt  }
0x3f: {  	_ =	shalt  }
0x40: {  	_ =	shalt  }
0x41: {  	_ =	shalt  }
0x42: {  	_ =	shalt  }
0x43: {  	_ =	shalt  }
0x44: {  	_ =	shalt  }
0x45: {  	_ =	shalt  }
0x46: {  	_ =	shalt  }
0x47: {  	_ =	shalt  }
0x48: {  	_ =	shalt  }
0x49: {  	_ =	shalt  }
0x4a: {  	_ =	shalt  }
0x4b: {  	_ =	shalt  }
0x4c: {  	_ =	shalt  }
0x4d: {  	_ =	shalt  }
0x4e: {  	_ =	shalt  }
0x4f: {  	_ =	shalt  }
0x50: {  	_ =	shalt  }
0x51: {  	_ =	shalt  }
0x52: {  	_ =	shalt  }
0x53: {  	_ =	shalt  }
0x54: {  	_ =	shalt  }
0x55: {  	_ =	shalt  }
0x56: {  	_ =	shalt  }
0x57: {  	_ =	shalt  }
0x58: {  	_ =	shalt  }
0x59: {  	_ =	shalt  }
0x5a: {  	_ =	shalt  }
0x5b: {  	_ =	shalt  }
0x5c: {  	_ =	shalt  }
0x5d: {  	_ =	shalt  }
0x5e: {  	_ =	shalt  }
0x5f: {  	_ =	shalt  }
0x60: {  	_ =	shalt  }
0x61: {  	_ =	shalt  }
0x62: {  	_ =	shalt  }
0x63: {  	_ =	shalt  }
0x64: {  	_ =	shalt  }
0x65: {  	_ =	shalt  }
0x66: {  	_ =	shalt  }
0x67: {  	_ =	shalt  }
0x68: {  	_ =	shalt  }
0x69: {  	_ =	shalt  }
0x6a: {  	_ =	shalt  }
0x6b: {  	_ =	shalt  }
0x6c: {  	_ =	shalt  }
0x6d: {  	_ =	shalt  }
0x6e: {  	_ =	shalt  }
0x6f: {  	_ =	shalt  }
0x70: {  	_ =	shalt  }
0x71: {  	_ =	shalt  }
0x72: {  	_ =	shalt  }
0x73: {  	_ =	shalt  }
0x74: {  	_ =	shalt  }
0x75: {  	_ =	shalt  }
0x76: {  	_ =	shalt  }
0x77: {  	_ =	shalt  }
0x78: {  	_ =	shalt  }
0x79: {  	_ =	shalt  }
0x7a: {  	_ =	shalt  }
0x7b: {  	_ =	shalt  }
0x7c: {  	_ =	shalt  }
0x7d: {  	_ =	shalt  }
0x7e: {  	_ =	shalt  }
0x7f: {  	_ =	shalt  }
0x80: {  	_ =	shalt  }
0x81: {  	_ =	shalt  }
0x82: {  	_ =	shalt  }
0x83: {  	_ =	shalt  }
0x84: {  	_ =	shalt  }
0x85: {  	_ =	shalt  }
0x86: {  	_ =	shalt  }
0x87: {  	_ =	shalt  }
.Lfunc_end0:
.L_simem_size_0:
called_computation.1_lowered:
.L_overlay_start_0:
0x88: {  	s2 =	sld [smem:$0x3FD9]  }
0x89: {  	s3 =	sld [smem:$0x3FFE];
	_ =	sdelay $0x1  }
0x8a: {  	s1 =	srdreg.scid  }
0x8b: {  	s0 =	sand.u32 $0x1, s1  }
0x8c: {  	s17 =	sshll.u32 s0, $0xA;
	s2 =	sadd.s32 s3, s2  }
0x8d: {  	s2 =	sadd.s32 s2, s17  }
0x8e: {  	[smem:$0x3FC1] =	sst s2  }
0x8f: {  	_ = 	snop  }
0x90: {  	s2 =	sld [smem:$0x3FD0];
	(tm) =	ssettm $0x1  }
0x91: {  	s18 =	sld [smem:$0x3FFB];
	_ =	sdelay $0x3  }
0x92: {  	_ =	strace s18  }
0x93: {  	s3 =	sld [smem:$0x3FFC];
	_ =	sdelay $0x3  }
0x94: {  	_ =	strace s3  }
0x95: {  	s3 =	sld [smem:$0x3FFD];
	_ =	sdelay $0x3  }
0x96: {  	_ =	strace s3  }
0x97: {  	_ =	strace $0x8FFFFFFF  }
0x98: {  	s19 =	sld [smem:$0x3FDB];
	_ =	sdelay $0x1  }
0x99: {  	s4 =	simm.s32 $_scs_section_size  }
0x9a: {  	s5 =	simm.s32 $_size__tile_overlayer_lowered;
	s6 =	simm.s32 $_tile_overlayer_lowered  }
0x9b: {  	s22 =	simm.s32 $0x1BFF;
	s21 =	sshll.u32 s6, $0x1;
	s3 =	sadd.s32 s4, s19  }
0x9c: {  	s7 =	simm.s32 $0x0;
	s20 =	sshll.u32 s5, $0x1;
	s5 =	sadd.s32 s21, s3  }
0x9d: {  	[timem:s7], [sflag:s22] =	dma.local [hbm:s5], s20  }
0x9e: {  	_ =	swait.ge [sflag:s22], s20  }
0x9f: {  	s4 =	ssub.s32 $0x0, s20;
	[sflag:s22] =	ssyncset.done $0x0  }
0xa0: {  	[sflag:s22] =	ssyncadd.s32 s4;
	_ =	sdelay $0x1  }
0xa1: {  	s23 =	simm.s32 $0x1B8B  }
0xa2: {  	_ =	swait.ge [sflag:s23], $0x1  }
0xa3: {  	[sflag:s23] =	ssyncset.done $0x0  }
0xa4: {  	s25 =	simm.s32 $0x1B8E;
	s24 =	sld [smem:$0x3FFE];
	[sflag:s23] =	ssyncadd.s32 $0xFFFFFFFF  }
0xa5: {  	s26 =	simm.s32 $execute0_lowered;
	[smem:$0x3FD2] =	sst s25  }
0xa6: {  	s5 =	sshll.u32 s26, $0x1;
	_ =	strace $0x80000049;
	[dreg:$0x1] =	wrdreg $0xFFFFFFFF  }
0xa7: {  	s28 =	simm.s32 $_size_execute0_lowered;
	s3 =	sadd.s32 s3, s5;
	[dreg:$0x0] =	wrdreg $0x0  }
0xa8: {  	s5 =	sshll.u32 s28, $0x1;
	[dreg:$0x2] =	wrdreg s3  }
0xa9: {  	[dreg:$0x3] =	wrdreg s5  }
0xaa: {  	[dreg:$0x4] =	wrdreg $0xC0  }
0xab: {  	_ =	task [dreg:s7], $0x5FFFF  }
0xac: {  	[dreg:$0x1] =	wrdreg $0xFFFFFFFF  }
0xad: {  	[dreg:$0x0] =	wrdreg $0x60  }
0xae: {  	[dreg:$0x2] =	wrdreg s2  }
0xaf: {  	[dreg:$0x3] =	wrdreg s24  }
0xb0: {  	[dreg:$0x4] =	wrdreg $0xA8000  }
0xb1: {  	[dreg:$0x5] =	wrdreg $0x9  }
0xb2: {  	_ =	task.clear_ibuf [dreg:s7], $0x6FFFF;
	_ =	strace $0x90000049  }
0xb3: {  	s29 =	simm.s32 $0x9;
	_ =	strace $0x8000004B  }
0xb4: {  	_ =	swait.ge [sflag:s29], $0x1  }
0xb5: {  	[sflag:s29] =	ssyncadd.s32 $0xFFFFFFFF  }
0xb6: {  	_ =	strace $0x9000004B  }
0xb7: {  	_ =	sfence  }
0xb8: {  	s30 =	sld [smem:$0x0];
	_ =	sdelay $0x2  }
0xb9: {  	s31 =	sshll.u32 s1, $0xD;
	s1 =	sshrl.u32 s1, $0x2  }
0xba: {  	s3 =	sand.u32 $0x4000, s31;
	s1 =	sadd.s32 s1, s30  }
0xbb: {  	s0 =	sor.u32 s3, s0;
	s1 =	sshll.u32 s1, $0x11  }
0xbc: {  	s0 =	sor.u32 s1, s0  }
0xbd: {  	s0 =	sadd.s32 $0x8F2B, s0  }
0xbe: {  	[sflag:s0] =	ssyncadd.remote.s32 $0x1  }
0xbf: {  	_ =	sfence.sel $0xFFFF  }
0xc0: {  	[dreg:$0x0] =	wrdreg $0xFFFFFFFF;
	(pc) =	sbr.abs _section_cstart, $3  }
0xc1: {  	[dreg:$0x1] =	wrdreg $0xFFFFFFFF  }
0xc2: {  	_ =	task.clear_ibuf [dreg:s7], $0x2FFFF;
	_ =	strace $0x9FFFFFFF  }
0xc3: {  	(tm) =	ssettm $0x7FFFFFFF  }
tec
execute0_lowered:
.L_overlay_start_1:
0x0: {  	(tag) =	ssettag $0x1  }
0x1: {  	s1 =	rddreg [dreg:$0x0]  }
0x2: {  	s6 =	rddreg [dreg:$0x1]  }
0x3: {  	s2 =	rddreg [dreg:$0x2]  }
0x4: {  	s0 =	rddreg [dreg:$0x3]  }
0x5: {  	s4 =	simm.s32 $0x0;
	s3 =	srdreg.scid;
	s16 =	simm.s32 $0x80  }
0x6: {  	s17 =	simm.s32 $0x2800;
	s18 =	simm.s32 $0x6800;
	s19 =	simm.s32 $0x1  }
0x7: {  	s20 =	simm.s32 $0x2;
	s21 =	simm.s32 $0x2780;
	s7 =	sand.u32 $0x1, s3  }
0x8: {  	s22 =	simm.s32 $0x1300;
	s3 =	stileid.u32;
	s8 =	smul.u32 $0x140000, s7  }
0x9: {  	s23 =	simm.s32 $0x1380;
	s24 =	simm.s32 $0x0;
	s10 =	smul.u32 $0x14000, s3  }
0xa: {  	[smem:$0x7FF] =	sst s4;
	s9 =	sadd.s32 $0xC400, s6;
	s12 =	smul.u32 $0x28000, s7  }
0xb: {  	s11 =	sadd.s32 $0x2400, s6;
	s5 =	sadd.s32 $0x66400, s6;
	s26 =	smul.u32 $0x2800, s3  }
0xc: {  	_ =	strace $0x8000004A;
	s7 =	ssub.s32 $0x2, s7;
	s14 =	smul.u32 $0x50000, s3  }
0xd: {  	s30 =	sshll.u32 s3, $0x6;
	s13 =	sshrl.u32 s7, $0x1;
	s8 =	sadd.s32 s10, s8  }
0xe: {  	s13 =	ssub.s32 s7, s13;
	s28 =	sadd.s32 s26, s12;
	s29 =	sshrl.u32 s14, $0x2  }
0xf: {  	s8 =	sshrl.u32 s8, $0x3;
	s10 =	sshrl.u32 s28, $0x3;
	s14 =	sadd.s32 s29, s2  }
0x10: {  	s12 =	smax.u32 s13, $0x1;
	s15 =	sadd.s32 s8, s6;
	s6 =	sor.u32 $0x1C03, s30  }
0x11: {  	s31 =	sadd.s32 $0x280, s10;
	s7 =	sadd.s32 s9, s10;
	s8 =	sadd.s32 s11, s10  }
0x12: {  	s13 =	sshrl.u32 s14, $0x3;
	s14 =	simm.s32 $0x3;
	s9 =	sadd.s32 s9, s31  }
0x13: {  	s10 =	sadd.s32 s11, s31;
	s11 =	sadd.s32 $0x68C00, s15;
	s15 =	simm.s32 $0x1400  }
.LBB2_1:
0x14: {  	[spmem:s13], [sflag:s6] =	dma.local [hbm:s5], $0x2800  }
0x15: {  	_ =	swait.ge [sflag:s14], $0x2800  }
0x16: {  	[sflag:s14] =	ssyncset.done $0x0  }
0x17: {  	[sflag:s14] =	ssyncadd.s32 $0xFFFFD800  }
0x18: {  	[bflag:$0x0] =	sbarrier.arrive $0xFFFF  }
0x19: {  	[tilespmem:s4], [sflag:$0x3] =	stream.linear.gather [hbm4b:s7+s4], $0x1400, $0x38;
	[tilespmem:$0x1E800] =	vst v63  }
0x1a: {  	_ =	swait.ge [sflag:s14], $0x1400  }
0x1b: {  	[sflag:s14] =	ssyncset.done $0x0  }
0x1c: {  	[sflag:s14] =	ssyncadd.s32 $0xFFFFEC00  }
0x1d: {  	[tilespmem:s15], [sflag:$0x3] =	stream.linear.gather [hbm4b:s8+s4], $0x1400, $0x38;
	[tilespmem:$0x1E800] =	vst v63  }
0x1e: {  	_ =	swait.ge [sflag:s14], $0x1400  }
0x1f: {  	[sflag:s14] =	ssyncset.done $0x0  }
0x20: {  	[sflag:s14] =	ssyncadd.s32 $0xFFFFEC00  }
0x21: {  	[tilespmem:s17], [sflag:$0x1] =	stream.indirect.gather [hbm4b:s1+s16], $0x80, s15, s16, $0xb8;
	[tilespmem:$0x1E800] =	vst v63  }
0x22: {  	s25 =	simm.s32 $0x1480  }
0x23: {  	[tilespmem:s18], [sflag:$0x2] =	stream.indirect.gather [hbm4b:s1+s16], $0x80, s25, s16, $0xb8;
	[tilespmem:$0x1E800] =	vst v63  }
0x24: {  	_ =	swait.ge [sflag:s19], $0x4000  }
0x25: {  	[sflag:s19] =	ssyncset.done $0x0  }
0x26: {  	s29 =	simm.s32 $0x0;
	[sflag:s19] =	ssyncadd.s32 $0xFFFFC000  }
0x27: {  	[spmem:s2] =	stream.indirect.scatter.add.f32 [tilespmem:s17], [sflag:$0x3], $0x80, s29, s16, $0xb8;
	[tilespmem:$0x1E800] =	vst v63  }
0x28: {  	_ =	swait.ge [sflag:s14], $0x4000  }
0x29: {  	[sflag:s14] =	ssyncset.done $0x0  }
0x2a: {  	s30 =	simm.s32 $0x1500;
	[sflag:s14] =	ssyncadd.s32 $0xFFFFC000  }
0x2b: {  	[tilespmem:s17], [sflag:$0x1] =	stream.indirect.gather [hbm4b:s1+s16], $0x80, s30, s16, $0xb8;
	[tilespmem:$0x1E800] =	vst v63  }
0x2c: {  	_ =	swait.ge [sflag:s20], $0x4000  }
0x2d: {  	[sflag:s20] =	ssyncset.done $0x0  }
0x2e: {  	s31 =	simm.s32 $0x80;
	[sflag:s20] =	ssyncadd.s32 $0xFFFFC000  }
0x2f: {  	[spmem:s2] =	stream.indirect.scatter.add.f32 [tilespmem:s18], [sflag:$0x3], $0x80, s31, s16, $0xb8;
	[tilespmem:$0x1E800] =	vst v63  }
0x30: {  	_ =	swait.ge [sflag:s14], $0x4000  }
0x31: {  	s26 =	simm.s32 $0x800;
	s25 =	simm.s32 $0x100;
	[sflag:s14] =	ssyncset.done $0x0  }
.LBB2_2:
0x32: {  	s28 =	sadd.s32 $0x1480, s25  }
0x33: {  	[sflag:s14] =	ssyncadd.s32 $0xFFFFC000;
	s29 =	smov.u32 s26;
	s30 =	sadd.s32 $0x400, s26  }
0x34: {  	[tilespmem:s18], [sflag:$0x2] =	stream.indirect.gather [hbm4b:s1+s16], $0x80, s28, s16, $0xb8;
	[tilespmem:$0x1E800] =	vst v63  }
0x35: {  	p0 =	sne.s32 s26, $0x4800;
	_ =	swait.ge [sflag:s19], $0x4000  }
0x36: {  	[sflag:s19] =	ssyncset.done $0x0  }
0x37: {  	[sflag:s19] =	ssyncadd.s32 $0xFFFFC000  }
0x38: {  	[spmem:s2] =	stream.indirect.scatter.add.f32 [tilespmem:s17], [sflag:$0x3], $0x80, s25, s16, $0xb8;
	[tilespmem:$0x1E800] =	vst v63  }
0x39: {  	_ =	swait.ge [sflag:s14], $0x4000  }
0x3a: {  	[sflag:s14] =	ssyncset.done $0x0  }
0x3b: {  	s26 =	sadd.s32 $0x1500, s25;
	[sflag:s14] =	ssyncadd.s32 $0xFFFFC000  }
0x3c: {  	[tilespmem:s17], [sflag:$0x1] =	stream.indirect.gather [hbm4b:s1+s16], $0x80, s26, s16, $0xb8;
	[tilespmem:$0x1E800] =	vst v63  }
0x3d: {  	_ =	swait.ge [sflag:s20], $0x4000  }
.Ltmp0:
0x3e: {  	[sflag:s20] =	ssyncset.done $0x0;
	(pc) =	sbr.rel @p0 .LBB2_2-.Ltmp0, $4  }
0x3f: {  	s25 =	sadd.s32 $0x80, s25;
	[sflag:s20] =	ssyncadd.s32 $0xFFFFC000  }
0x40: {  	[spmem:s2] =	stream.indirect.scatter.add.f32 [tilespmem:s18], [sflag:$0x3], $0x80, s25, s16, $0xb8;
	[tilespmem:$0x1E800] =	vst v63  }
0x41: {  	_ =	swait.ge [sflag:s14], $0x4000  }
0x42: {  	s26 =	smov.u32 s30;
	s25 =	sshra.s32 s29, $0x2;
	[sflag:s14] =	ssyncset.done $0x0  }
0x43: {  	s26 =	sadd.s32 $0x1480, s25;
	[sflag:s14] =	ssyncadd.s32 $0xFFFFC000  }
0x44: {  	[tilespmem:s18], [sflag:$0x2] =	stream.indirect.gather [hbm4b:s1+s16], $0x80, s26, s16, $0xb8;
	[tilespmem:$0x1E800] =	vst v63  }
0x45: {  	_ =	swait.ge [sflag:s19], $0x4000  }
0x46: {  	[sflag:s19] =	ssyncset.done $0x0  }
0x47: {  	[sflag:s19] =	ssyncadd.s32 $0xFFFFC000  }
0x48: {  	[spmem:s2] =	stream.indirect.scatter.add.f32 [tilespmem:s17], [sflag:$0x3], $0x80, s25, s16, $0xb8;
	[tilespmem:$0x1E800] =	vst v63  }
0x49: {  	_ =	swait.ge [sflag:s14], $0x4000  }
0x4a: {  	[sflag:s14] =	ssyncset.done $0x0  }
0x4b: {  	s30 =	sadd.s32 $0x1500, s25;
	[sflag:s14] =	ssyncadd.s32 $0xFFFFC000  }
0x4c: {  	[tilespmem:s17], [sflag:$0x1] =	stream.indirect.gather [hbm4b:s1+s16], $0x80, s30, s16, $0xb8;
	[tilespmem:$0x1E800] =	vst v63  }
0x4d: {  	_ =	swait.ge [sflag:s20], $0x4000  }
0x4e: {  	[sflag:s20] =	ssyncset.done $0x0  }
0x4f: {  	s31 =	sadd.s32 $0x80, s25;
	[sflag:s20] =	ssyncadd.s32 $0xFFFFC000  }
0x50: {  	[spmem:s2] =	stream.indirect.scatter.add.f32 [tilespmem:s18], [sflag:$0x3], $0x80, s31, s16, $0xb8;
	[tilespmem:$0x1E800] =	vst v63  }
0x51: {  	_ =	swait.ge [sflag:s14], $0x4000  }
0x52: {  	[sflag:s14] =	ssyncset.done $0x0  }
0x53: {  	[sflag:s14] =	ssyncadd.s32 $0xFFFFC000  }
0x54: {  	[tilespmem:s18], [sflag:$0x2] =	stream.indirect.gather [hbm4b:s1+s16], $0x80, s21, s16, $0xb8;
	[tilespmem:$0x1E800] =	vst v63  }
0x55: {  	_ =	swait.ge [sflag:s19], $0x4000  }
0x56: {  	[sflag:s19] =	ssyncset.done $0x0  }
0x57: {  	[sflag:s19] =	ssyncadd.s32 $0xFFFFC000  }
0x58: {  	[spmem:s2] =	stream.indirect.scatter.add.f32 [tilespmem:s17], [sflag:$0x3], $0x80, s22, s16, $0xb8;
	[tilespmem:$0x1E800] =	vst v63  }
0x59: {  	_ =	swait.ge [sflag:s14], $0x4000  }
0x5a: {  	[sflag:s14] =	ssyncset.done $0x0  }
0x5b: {  	[sflag:s14] =	ssyncadd.s32 $0xFFFFC000  }
0x5c: {  	_ =	swait.ge [sflag:s20], $0x4000  }
0x5d: {  	[sflag:s20] =	ssyncset.done $0x0  }
0x5e: {  	[sflag:s20] =	ssyncadd.s32 $0xFFFFC000  }
0x5f: {  	[spmem:s2] =	stream.indirect.scatter.add.f32 [tilespmem:s18], [sflag:$0x3], $0x80, s23, s16, $0xb8;
	[tilespmem:$0x1E800] =	vst v63  }
0x60: {  	_ =	swait.ge [sflag:s14], $0x4000  }
0x61: {  	[sflag:s14] =	ssyncset.done $0x0  }
0x62: {  	s26 =	simm.s32 $0x0;
	[sflag:s14] =	ssyncadd.s32 $0xFFFFC000  }
0x63: {  	[tilespmem:s26], [sflag:$0x3] =	stream.linear.gather [hbm4b:s9+s26], $0x1400, $0x38;
	[tilespmem:$0x1E800] =	vst v63  }
0x64: {  	_ =	swait.ge [sflag:s14], $0x1400  }
0x65: {  	[sflag:s14] =	ssyncset.done $0x0  }
0x66: {  	[sflag:s14] =	ssyncadd.s32 $0xFFFFEC00  }
0x67: {  	[tilespmem:s15], [sflag:$0x3] =	stream.linear.gather [hbm4b:s10+s26], $0x1400, $0x38;
	[tilespmem:$0x1E800] =	vst v63  }
0x68: {  	_ =	swait.ge [sflag:s14], $0x1400  }
0x69: {  	[sflag:s14] =	ssyncset.done $0x0  }
0x6a: {  	[sflag:s14] =	ssyncadd.s32 $0xFFFFEC00  }
0x6b: {  	[tilespmem:s17], [sflag:$0x1] =	stream.indirect.gather [hbm4b:s1+s16], $0x80, s15, s16, $0xb8;
	[tilespmem:$0x1E800] =	vst v63  }
0x6c: {  	s28 =	simm.s32 $0x1480  }
0x6d: {  	[tilespmem:s18], [sflag:$0x2] =	stream.indirect.gather [hbm4b:s1+s16], $0x80, s28, s16, $0xb8;
	[tilespmem:$0x1E800] =	vst v63  }
0x6e: {  	_ =	swait.ge [sflag:s19], $0x4000  }
0x6f: {  	[sflag:s19] =	ssyncset.done $0x0  }
0x70: {  	s29 =	simm.s32 $0x0;
	[sflag:s19] =	ssyncadd.s32 $0xFFFFC000  }
0x71: {  	[spmem:s2] =	stream.indirect.scatter.add.f32 [tilespmem:s17], [sflag:$0x3], $0x80, s29, s16, $0xb8;
	[tilespmem:$0x1E800] =	vst v63  }
0x72: {  	_ =	swait.ge [sflag:s14], $0x4000  }
0x73: {  	[sflag:s14] =	ssyncset.done $0x0  }
0x74: {  	s30 =	simm.s32 $0x1500;
	[sflag:s14] =	ssyncadd.s32 $0xFFFFC000  }
0x75: {  	[tilespmem:s17], [sflag:$0x1] =	stream.indirect.gather [hbm4b:s1+s16], $0x80, s30, s16, $0xb8;
	[tilespmem:$0x1E800] =	vst v63  }
0x76: {  	_ =	swait.ge [sflag:s20], $0x4000  }
0x77: {  	[sflag:s20] =	ssyncset.done $0x0  }
0x78: {  	s31 =	simm.s32 $0x80;
	[sflag:s20] =	ssyncadd.s32 $0xFFFFC000  }
0x79: {  	[spmem:s2] =	stream.indirect.scatter.add.f32 [tilespmem:s18], [sflag:$0x3], $0x80, s31, s16, $0xb8;
	[tilespmem:$0x1E800] =	vst v63  }
0x7a: {  	_ =	swait.ge [sflag:s14], $0x4000  }
0x7b: {  	s25 =	simm.s32 $0x100;
	s26 =	simm.s32 $0x800;
	[sflag:s14] =	ssyncset.done $0x0  }
.LBB2_4:
0x7c: {  	s28 =	sadd.s32 $0x1480, s25  }
0x7d: {  	[sflag:s14] =	ssyncadd.s32 $0xFFFFC000;
	s29 =	smov.u32 s26;
	s30 =	sadd.s32 $0x400, s26  }
0x7e: {  	[tilespmem:s18], [sflag:$0x2] =	stream.indirect.gather [hbm4b:s1+s16], $0x80, s28, s16, $0xb8;
	[tilespmem:$0x1E800] =	vst v63  }
0x7f: {  	p0 =	sne.s32 s26, $0x4800;
	_ =	swait.ge [sflag:s19], $0x4000  }
0x80: {  	[sflag:s19] =	ssyncset.done $0x0  }
0x81: {  	[sflag:s19] =	ssyncadd.s32 $0xFFFFC000  }
0x82: {  	[spmem:s2] =	stream.indirect.scatter.add.f32 [tilespmem:s17], [sflag:$0x3], $0x80, s25, s16, $0xb8;
	[tilespmem:$0x1E800] =	vst v63  }
0x83: {  	_ =	swait.ge [sflag:s14], $0x4000  }
0x84: {  	[sflag:s14] =	ssyncset.done $0x0  }
0x85: {  	s26 =	sadd.s32 $0x1500, s25;
	[sflag:s14] =	ssyncadd.s32 $0xFFFFC000  }
0x86: {  	[tilespmem:s17], [sflag:$0x1] =	stream.indirect.gather [hbm4b:s1+s16], $0x80, s26, s16, $0xb8;
	[tilespmem:$0x1E800] =	vst v63  }
0x87: {  	_ =	swait.ge [sflag:s20], $0x4000  }
.Ltmp1:
0x88: {  	[sflag:s20] =	ssyncset.done $0x0;
	(pc) =	sbr.rel @p0 .LBB2_4-.Ltmp1, $4  }
0x89: {  	s25 =	sadd.s32 $0x80, s25;
	[sflag:s20] =	ssyncadd.s32 $0xFFFFC000  }
0x8a: {  	[spmem:s2] =	stream.indirect.scatter.add.f32 [tilespmem:s18], [sflag:$0x3], $0x80, s25, s16, $0xb8;
	[tilespmem:$0x1E800] =	vst v63  }
0x8b: {  	_ =	swait.ge [sflag:s14], $0x4000  }
0x8c: {  	s26 =	smov.u32 s30;
	s25 =	sshra.s32 s29, $0x2;
	[sflag:s14] =	ssyncset.done $0x0  }
0x8d: {  	s26 =	sadd.s32 $0x1480, s25;
	[sflag:s14] =	ssyncadd.s32 $0xFFFFC000  }
0x8e: {  	[tilespmem:s18], [sflag:$0x2] =	stream.indirect.gather [hbm4b:s1+s16], $0x80, s26, s16, $0xb8;
	[tilespmem:$0x1E800] =	vst v63  }
0x8f: {  	_ =	swait.ge [sflag:s19], $0x4000  }
0x90: {  	[sflag:s19] =	ssyncset.done $0x0  }
0x91: {  	[sflag:s19] =	ssyncadd.s32 $0xFFFFC000  }
0x92: {  	[spmem:s2] =	stream.indirect.scatter.add.f32 [tilespmem:s17], [sflag:$0x3], $0x80, s25, s16, $0xb8;
	[tilespmem:$0x1E800] =	vst v63  }
0x93: {  	_ =	swait.ge [sflag:s14], $0x4000  }
0x94: {  	[sflag:s14] =	ssyncset.done $0x0  }
0x95: {  	s30 =	sadd.s32 $0x1500, s25;
	[sflag:s14] =	ssyncadd.s32 $0xFFFFC000  }
0x96: {  	[tilespmem:s17], [sflag:$0x1] =	stream.indirect.gather [hbm4b:s1+s16], $0x80, s30, s16, $0xb8;
	[tilespmem:$0x1E800] =	vst v63  }
0x97: {  	_ =	swait.ge [sflag:s20], $0x4000  }
0x98: {  	[sflag:s20] =	ssyncset.done $0x0  }
0x99: {  	s31 =	sadd.s32 $0x80, s25;
	[sflag:s20] =	ssyncadd.s32 $0xFFFFC000  }
0x9a: {  	[spmem:s2] =	stream.indirect.scatter.add.f32 [tilespmem:s18], [sflag:$0x3], $0x80, s31, s16, $0xb8;
	[tilespmem:$0x1E800] =	vst v63  }
0x9b: {  	_ =	swait.ge [sflag:s14], $0x4000  }
0x9c: {  	[sflag:s14] =	ssyncset.done $0x0  }
0x9d: {  	[sflag:s14] =	ssyncadd.s32 $0xFFFFC000  }
0x9e: {  	[tilespmem:s18], [sflag:$0x2] =	stream.indirect.gather [hbm4b:s1+s16], $0x80, s21, s16, $0xb8;
	[tilespmem:$0x1E800] =	vst v63  }
0x9f: {  	_ =	swait.ge [sflag:s19], $0x4000  }
0xa0: {  	[sflag:s19] =	ssyncset.done $0x0  }
0xa1: {  	[sflag:s19] =	ssyncadd.s32 $0xFFFFC000  }
0xa2: {  	[spmem:s2] =	stream.indirect.scatter.add.f32 [tilespmem:s17], [sflag:$0x3], $0x80, s22, s16, $0xb8;
	[tilespmem:$0x1E800] =	vst v63  }
0xa3: {  	_ =	swait.ge [sflag:s14], $0x4000  }
0xa4: {  	[sflag:s14] =	ssyncset.done $0x0  }
0xa5: {  	[sflag:s14] =	ssyncadd.s32 $0xFFFFC000  }
0xa6: {  	_ =	swait.ge [sflag:s20], $0x4000  }
0xa7: {  	[sflag:s20] =	ssyncset.done $0x0  }
0xa8: {  	[sflag:s20] =	ssyncadd.s32 $0xFFFFC000  }
0xa9: {  	[spmem:s2] =	stream.indirect.scatter.add.f32 [tilespmem:s18], [sflag:$0x3], $0x80, s23, s16, $0xb8;
	[tilespmem:$0x1E800] =	vst v63  }
0xaa: {  	_ =	swait.ge [sflag:s14], $0x4000  }
0xab: {  	s24 =	sadd.s32 $0x1, s24;
	[sflag:s14] =	ssyncset.done $0x0  }
0xac: {  	p0 =	sne.s32 s24, s12;
	[sflag:s14] =	ssyncadd.s32 $0xFFFFC000  }
.Ltmp2:
0xad: {  	[bflag:$0x0] =	sbarrier.arrive $0xFFFF;
	(pc) =	sbr.rel @p0 .LBB2_1-.Ltmp2, $4  }
0xae: {  	[hbm:s11], [sflag:s6] =	dma.local [spmem:s13], $0x2800  }
0xaf: {  	_ =	swait.ge [sflag:s14], $0x2800  }
0xb0: {  	[sflag:s14] =	ssyncset.done $0x0  }
0xb1: {  	[sflag:s14] =	ssyncadd.s32 $0xFFFFD800  }
0xb2: {  	_ =	sfence.sel $0x180000  }
0xb3: {  	[bflag:$0x0] =	sbarrier.arrive $0xFFFF  }
0xb4: {  	p0 =	sne.s32 s3, $0x0;
	_ =	strace $0x9000004A  }
0xb5: {  	s0 =	sadd.s32 @!p0 $0x100000, s0;
	[bflag:$0x2] =	sbarrier.arrive $0xFFFF  }
0xb6: {  	[sflag:s0] =	ssyncadd.tile.s32 @!p0 $0x1;
	_ =	shalt  }
.Lfunc_end2:
_tile_overlayer_lowered:
.L_overlay_start_2:
0xb7: {  	(tag) =	ssettag $0x2  }
0xb8: {  	s0 =	rddreg [dreg:$0x0];
	s2 =	stileid.u32  }
0xb9: {  	s1 =	rddreg [dreg:$0x1];
	p0 =	sne.s32 s2, $0x0  }
0xba: {  	s3 =	rddreg [dreg:$0x2];
	[bflag:$0x3] =	sbarrier.arrive $0xFFFF;
	s2 =	simm.s32 @!p0 $0x1C03  }
0xbb: {  	[timem:s3], [sflag:s2] =	dma.local @!p0 [hbm:s0], s1  }
0xbc: {  	s0 =	simm.s32 @!p0 $0x3  }
0xbd: {  	_ =	swait.ge @!p0 [sflag:s0], s1  }
0xbe: {  	s1 =	ssub.s32 @!p0 $0x0, s1;
	[sflag:s0] =	ssyncset.done @!p0 $0x0  }
0xbf: {  	[sflag:s0] =	ssyncadd.s32 @!p0 s1  }
0xc0: {  	[bflag:$0x3] =	sbarrier.arrive $0xFFFF  }
0xc1: {  	_ =	shalt  }

// kernel: kernel.7.cloned.1.call-start
scs
__scs_entry_jumppad:
0x0: {  	(pc) =	sbr.rel $0x88, $3  }
0x1: {  	(tag) =	ssettag $0x0;
	lr =	simm.s32 $0x1  }
0x2: {  	[smem:$0x3F9A] =	sst lr;
	_ =	strace $0xD0000000  }
0x3: {  	_ = 	snop  }
0x4: {  	_ = 	snop  }
0x5: {  	_ = 	snop  }
0x6: {  	_ = 	snop  }
0x7: {  	_ = 	snop  }
__scs_overlays_trampoline_lowered:
0x8: {  	[smem:$0x3FA9] =	sst s0  }
0x9: {  	[smem:$0x3FAA] =	sst s1  }
0xa: {  	[smem:$0x3FAB] =	sst s2  }
0xb: {  	[smem:$0x3FAC] =	sst s3  }
0xc: {  	[smem:$0x3FAD] =	sst s4  }
0xd: {  	[smem:$0x3FAE] =	sst s5  }
0xe: {  	[smem:$0x3FAF] =	sst s6  }
0xf: {  	[smem:$0x3FB0] =	sst s7  }
0x10: {  	[smem:$0x3FB1] =	sst s8  }
0x11: {  	[smem:$0x3FB2] =	sst s9;
	s0 =	simm.s32 @!p0 $0x0  }
0x12: {  	s1 =	sld [smem:$0x3F98];
	s0 =	simm.s32 @p0 $0x1  }
0x13: {  	[smem:$0x3FB3] =	sst s0;
	s0 =	simm.s32 @!p1 $0x0  }
0x14: {  	s2 =	sld [smem:$0x3F97];
	s0 =	simm.s32 @p1 $0x1  }
0x15: {  	[smem:$0x3FB4] =	sst s0;
	s0 =	simm.s32 @!p2 $0x0  }
0x16: {  	s3 =	sld [smem:$0x3FDB];
	s0 =	simm.s32 @p2 $0x1  }
0x17: {  	s4 =	simm.s32 $0x1BF5;
	[smem:$0x3FB6] =	sst s0  }
0x18: {  	s0 =	sld [smem:$0x3F99];
	_ =	swait.ge [sflag:s4], $0x0  }
0x19: {  	s7 =	sld [smem:$0x3F9A]  }
0x1a: {  	s8 =	sadd.s32 $0xFFFFE003, lr  }
0x1b: {  	s9 =	sadd.s32 $0xFFFFFEF7, lr;
	s5 =	simm.s32 $0xFFFFFFFF;
	p2 =	slt.u32 s8, $0xFFFFF086  }
0x1c: {  	p1 =	slt.u32 s9, $0xF7A;
	s5 =	simm.s32 @!p2 $0x0  }
0x1d: {  	s5 =	simm.s32 @p1 $0x1;
	p0 =	seq.s32 s7, s2  }
0x1e: {  	s7 =	smul.u32 @!p0 $0xF7A, s2;
	p2 =	seq.s32 @!p0 s5, $0x0  }
0x1f: {  	s9 =	smul.u32 $0xF7A, s1;
	s8 =	simm.s32 @!p0 $0x1BF5;
	p2 =	por !p2, p0  }
0x20: {  	[sflag:s8] =	ssyncset.s32 @!p0 $0xFFFFF086;
	s6 =	sadd.s32 @!p0 s3, s7;
	s7 =	simm.s32 @!p0 $0x108  }
0x21: {  	s3 =	sadd.s32 s3, s9;
	s6 =	sadd.s32 @!p0 $0x88, s6;
	s7 =	simm.s32 @p2 $0x1082  }
0x22: {  	[simem:s7], [sflag:s8] =	dma.local @!p0 [hbm:s6], $0xF7A  }
0x23: {  	s9 =	sor.u32 $0xD0000000, s2;
	s6 =	simm.s32 $0x108;
	_ =	swait.ge @!p0 [sflag:s8], $0x0  }
0x24: {  	s3 =	sadd.s32 $0x88, s3;
	s6 =	simm.s32 @!p1 $0x1082;
	[sflag:s4] =	ssyncset.s32 $0xFFFFF086  }
0x25: {  	[simem:s6], [sflag:s4] =	dma.local [hbm:s3], $0xF7A  }
0x26: {  	[smem:$0x3F9A] =	sst s1;
	(tag) =	ssettag s2;
	_ =	strace s9  }
0x27: {  	s1 =	sld [smem:$0x3FAA]  }
0x28: {  	s2 =	sld [smem:$0x3FAB]  }
0x29: {  	s4 =	sld [smem:$0x3FAD]  }
0x2a: {  	p0 =	seq.s32 s5, $0x0;
	s5 =	sld [smem:$0x3FAE]  }
0x2b: {  	s6 =	sld [smem:$0x3FAF]  }
0x2c: {  	s7 =	sld [smem:$0x3FB0]  }
0x2d: {  	s3 =	simm.s32 $0x108;
	s8 =	sld [smem:$0x3FB1]  }
0x2e: {  	s3 =	simm.s32 @!p0 $0x1082;
	s9 =	sld [smem:$0x3FB2]  }
0x2f: {  	lr =	sadd.s32 s0, s3;
	s0 =	sld [smem:$0x3FA9]  }
0x30: {  	s3 =	sld [smem:$0x3FAC]  }
0x31: {  	[smem:$0x3FB5] =	sst s10  }
0x32: {  	s10 =	sld [smem:$0x3FB3];
	_ =	sdelay $0x3  }
0x33: {  	p0 =	seq.s32 s10, $0x1;
	s10 =	sld [smem:$0x3FB5];
	_ =	sdelay $0x3  }
0x34: {  	[smem:$0x3FB5] =	sst s10  }
0x35: {  	s10 =	sld [smem:$0x3FB4];
	_ =	sdelay $0x3  }
0x36: {  	p1 =	seq.s32 s10, $0x1;
	s10 =	sld [smem:$0x3FB5];
	_ =	sdelay $0x3  }
0x37: {  	[smem:$0x3FB5] =	sst s10  }
0x38: {  	s10 =	sld [smem:$0x3FB6]  }
0x39: {  	_ = 	snop;
	(pc) =	sbr.ind lr, $3  }
0x3a: {  	_ = 	snop  }
0x3b: {  	_ = 	snop  }
0x3c: {  	p2 =	seq.s32 s10, $0x1;
	s10 =	sld [smem:$0x3FB5]  }
0x3d: {  	_ =	shalt  }
0x3e: {  	_ =	shalt  }
0x3f: {  	_ =	shalt  }
0x40: {  	_ =	shalt  }
0x41: {  	_ =	shalt  }
0x42: {  	_ =	shalt  }
0x43: {  	_ =	shalt  }
0x44: {  	_ =	shalt  }
0x45: {  	_ =	shalt  }
0x46: {  	_ =	shalt  }
0x47: {  	_ =	shalt  }
0x48: {  	_ =	shalt  }
0x49: {  	_ =	shalt  }
0x4a: {  	_ =	shalt  }
0x4b: {  	_ =	shalt  }
0x4c: {  	_ =	shalt  }
0x4d: {  	_ =	shalt  }
0x4e: {  	_ =	shalt  }
0x4f: {  	_ =	shalt  }
0x50: {  	_ =	shalt  }
0x51: {  	_ =	shalt  }
0x52: {  	_ =	shalt  }
0x53: {  	_ =	shalt  }
0x54: {  	_ =	shalt  }
0x55: {  	_ =	shalt  }
0x56: {  	_ =	shalt  }
0x57: {  	_ =	shalt  }
0x58: {  	_ =	shalt  }
0x59: {  	_ =	shalt  }
0x5a: {  	_ =	shalt  }
0x5b: {  	_ =	shalt  }
0x5c: {  	_ =	shalt  }
0x5d: {  	_ =	shalt  }
0x5e: {  	_ =	shalt  }
0x5f: {  	_ =	shalt  }
0x60: {  	_ =	shalt  }
0x61: {  	_ =	shalt  }
0x62: {  	_ =	shalt  }
0x63: {  	_ =	shalt  }
0x64: {  	_ =	shalt  }
0x65: {  	_ =	shalt  }
0x66: {  	_ =	shalt  }
0x67: {  	_ =	shalt  }
0x68: {  	_ =	shalt  }
0x69: {  	_ =	shalt  }
0x6a: {  	_ =	shalt  }
0x6b: {  	_ =	shalt  }
0x6c: {  	_ =	shalt  }
0x6d: {  	_ =	shalt  }
0x6e: {  	_ =	shalt  }
0x6f: {  	_ =	shalt  }
0x70: {  	_ =	shalt  }
0x71: {  	_ =	shalt  }
0x72: {  	_ =	shalt  }
0x73: {  	_ =	shalt  }
0x74: {  	_ =	shalt  }
0x75: {  	_ =	shalt  }
0x76: {  	_ =	shalt  }
0x77: {  	_ =	shalt  }
0x78: {  	_ =	shalt  }
0x79: {  	_ =	shalt  }
0x7a: {  	_ =	shalt  }
0x7b: {  	_ =	shalt  }
0x7c: {  	_ =	shalt  }
0x7d: {  	_ =	shalt  }
0x7e: {  	_ =	shalt  }
0x7f: {  	_ =	shalt  }
0x80: {  	_ =	shalt  }
0x81: {  	_ =	shalt  }
0x82: {  	_ =	shalt  }
0x83: {  	_ =	shalt  }
0x84: {  	_ =	shalt  }
0x85: {  	_ =	shalt  }
0x86: {  	_ =	shalt  }
0x87: {  	_ =	shalt  }
.Lfunc_end0:
.L_simem_size_0:
called_computation_lowered:
.L_overlay_start_0:
0x88: {  	s2 =	sld [smem:$0x3FD9]  }
0x89: {  	s3 =	sld [smem:$0x3FFE];
	_ =	sdelay $0x1  }
0x8a: {  	s1 =	srdreg.scid  }
0x8b: {  	s0 =	sand.u32 $0x1, s1  }
0x8c: {  	s17 =	sshll.u32 s0, $0xA;
	s2 =	sadd.s32 s3, s2  }
0x8d: {  	s2 =	sadd.s32 s2, s17  }
0x8e: {  	[smem:$0x3FC1] =	sst s2  }
0x8f: {  	_ = 	snop  }
0x90: {  	s2 =	sld [smem:$0x3FD0];
	(tm) =	ssettm $0x1  }
0x91: {  	s18 =	sld [smem:$0x3FFB];
	_ =	sdelay $0x3  }
0x92: {  	_ =	strace s18  }
0x93: {  	s3 =	sld [smem:$0x3FFC];
	_ =	sdelay $0x3  }
0x94: {  	_ =	strace s3  }
0x95: {  	s3 =	sld [smem:$0x3FFD];
	_ =	sdelay $0x3  }
0x96: {  	_ =	strace s3  }
0x97: {  	_ =	strace $0x8FFFFFFF  }
0x98: {  	s19 =	sld [smem:$0x3FDB];
	_ =	sdelay $0x1  }
0x99: {  	s4 =	simm.s32 $_scs_section_size  }
0x9a: {  	s5 =	simm.s32 $_size__tile_overlayer_lowered;
	s6 =	simm.s32 $_tile_overlayer_lowered  }
0x9b: {  	s22 =	simm.s32 $0x1BFF;
	s21 =	sshll.u32 s6, $0x1;
	s3 =	sadd.s32 s4, s19  }
0x9c: {  	s7 =	simm.s32 $0x0;
	s20 =	sshll.u32 s5, $0x1;
	s5 =	sadd.s32 s21, s3  }
0x9d: {  	[timem:s7], [sflag:s22] =	dma.local [hbm:s5], s20  }
0x9e: {  	_ =	swait.ge [sflag:s22], s20  }
0x9f: {  	s4 =	ssub.s32 $0x0, s20;
	[sflag:s22] =	ssyncset.done $0x0  }
0xa0: {  	[sflag:s22] =	ssyncadd.s32 s4;
	_ =	sdelay $0x1  }
0xa1: {  	s23 =	simm.s32 $0x1B8B  }
0xa2: {  	_ =	swait.ge [sflag:s23], $0x1  }
0xa3: {  	[sflag:s23] =	ssyncset.done $0x0  }
0xa4: {  	s25 =	simm.s32 $0x1B8E;
	s24 =	sld [smem:$0x3FFE];
	[sflag:s23] =	ssyncadd.s32 $0xFFFFFFFF  }
0xa5: {  	s26 =	simm.s32 $execute0_lowered;
	[smem:$0x3FD2] =	sst s25  }
0xa6: {  	s5 =	sshll.u32 s26, $0x1;
	_ =	strace $0x80000046;
	[dreg:$0x1] =	wrdreg $0xFFFFFFFF  }
0xa7: {  	s28 =	simm.s32 $_size_execute0_lowered;
	s3 =	sadd.s32 s3, s5;
	[dreg:$0x0] =	wrdreg $0x0  }
0xa8: {  	s5 =	sshll.u32 s28, $0x1;
	[dreg:$0x2] =	wrdreg s3  }
0xa9: {  	[dreg:$0x3] =	wrdreg s5  }
0xaa: {  	[dreg:$0x4] =	wrdreg $0xC0  }
0xab: {  	_ =	task [dreg:s7], $0x5FFFF  }
0xac: {  	[dreg:$0x1] =	wrdreg $0xFFFFFFFF  }
0xad: {  	[dreg:$0x0] =	wrdreg $0x60  }
0xae: {  	[dreg:$0x2] =	wrdreg s24  }
0xaf: {  	[dreg:$0x3] =	wrdreg s2  }
0xb0: {  	[dreg:$0x4] =	wrdreg $0x9  }
0xb1: {  	_ =	task.clear_ibuf [dreg:s7], $0x5FFFF;
	_ =	strace $0x90000046  }
0xb2: {  	s29 =	simm.s32 $0x9;
	_ =	strace $0x80000048  }
0xb3: {  	_ =	swait.ge [sflag:s29], $0x1  }
0xb4: {  	[sflag:s29] =	ssyncadd.s32 $0xFFFFFFFF  }
0xb5: {  	_ =	strace $0x90000048  }
0xb6: {  	_ =	sfence  }
0xb7: {  	s30 =	sld [smem:$0x0];
	_ =	sdelay $0x2  }
0xb8: {  	s31 =	sshll.u32 s1, $0xD;
	s1 =	sshrl.u32 s1, $0x2  }
0xb9: {  	s3 =	sand.u32 $0x4000, s31;
	s1 =	sadd.s32 s1, s30  }
0xba: {  	s0 =	sor.u32 s3, s0;
	s1 =	sshll.u32 s1, $0x11  }
0xbb: {  	s0 =	sor.u32 s1, s0  }
0xbc: {  	s0 =	sadd.s32 $0x8F2B, s0  }
0xbd: {  	[sflag:s0] =	ssyncadd.remote.s32 $0x1  }
0xbe: {  	_ =	sfence.sel $0xFFFF  }
0xbf: {  	[dreg:$0x0] =	wrdreg $0xFFFFFFFF;
	(pc) =	sbr.abs _section_cstart, $3  }
0xc0: {  	[dreg:$0x1] =	wrdreg $0xFFFFFFFF  }
0xc1: {  	_ =	task.clear_ibuf [dreg:s7], $0x2FFFF;
	_ =	strace $0x9FFFFFFF  }
0xc2: {  	(tm) =	ssettm $0x7FFFFFFF  }
0xc3: {  	_ =	shalt  }
tec
execute0_lowered:
.L_overlay_start_1:
0x0: {  	(tag) =	ssettag $0x1  }
0x1: {  	s3 =	rddreg [dreg:$0x0]  }
0x2: {  	s4 =	rddreg [dreg:$0x1];
	s1 =	srdreg.scid  }
0x3: {  	s0 =	rddreg [dreg:$0x2];
	s5 =	sand.u32 $0x1, s1  }
0x4: {  	s2 =	simm.s32 $0x0;
	s1 =	stileid.u32;
	s6 =	smul.u32 $0x28000, s5  }
0x5: {  	s10 =	simm.s32 $0x0;
	[smem:$0x7FF] =	sst s2;
	s7 =	smul.u32 $0x2800, s1  }
0x6: {  	s8 =	sshrl.u32 s1, $0x3;
	_ =	strace $0x80000047;
	s9 =	sshll.u32 s1, $0x7  }
0x7: {  	s5 =	ssub.s32 $0x2, s5;
	s8 =	smul.u32 $0x14000, s8;
	s30 =	sand.u32 $0x380, s9  }
0x8: {  	s31 =	sshrl.u32 s5, $0x1;
	s9 =	simm.s32 $0x400;
	s7 =	sadd.s32 s7, s6  }
0x9: {  	s5 =	ssub.s32 s5, s31;
	s6 =	sadd.s32 s6, s8;
	s7 =	sshrl.u32 s7, $0x3  }
0xa: {  	s5 =	smax.u32 s5, $0x1;
	s8 =	simm.s32 $0x80;
	s6 =	sor.u32 s30, s6  }
0xb: {  	s3 =	sadd.s32 s7, s3;
	s7 =	simm.s32 $0x2800;
	s6 =	sshrl.u32 s6, $0x3  }
0xc: {  	v0 =	vimm.f32 $0.0e+00;
	v1 =	vimm.f32 $1.000000000e+00;
	s3 =	sadd.s32 $0xC400, s3;
	s4 =	sadd.s32 s4, s6;
	s6 =	simm.s32 $0x1  }
.LBB2_1:
0xd: {  	s11 =	simm.s32 $0x40;
	s12 =	simm.s32 $0x0  }
.LBB2_2:
0xe: {  	p0 =	sne.s32 s11, $0x9FC0;
	[tilespmem:s12+$0x2800] =	vst v0;
	s12 =	smov.u32 s11;
	s11 =	sadd.s32 $0x40, s11  }
.Ltmp0:
0xf: {  	(pc) =	sbr.rel @p0 .LBB2_2-.Ltmp0, $2  }
0x10: {  	_ =	sdelay $0x2  }
0x11: {  	s12 =	sshra.s32 s12, $0x2  }
0x12: {  	[tilespmem:s12+$0x2800] =	vst v0  }
0x13: {  	[tilespmem:s2], [sflag:$0x1] =	stream.linear.gather [hbm4b:s3+s2], $0x2800, $0x38;
	[tilespmem:$0x5000] =	vst v63  }
0x14: {  	_ =	swait.ge [sflag:s6], $0x2800  }
0x15: {  	[sflag:s6] =	ssyncset.done $0x0  }
0x16: {  	s11 =	simm.s32 $0x1C0;
	[sflag:s6] =	ssyncadd.s32 $0xFFFFD800  }
.LBB2_4:
0x17: {  	s12 =	sshra.s32 s11, $0x2  }
0x18: {  	v2 =	vld [tilespmem:s12+$0xFFFFFF90];
	_ =	sdelay $0x7  }
0x19: {  	[tilespmem:v2+s7+$0x0] =	vst.idx.add.f32.msk $0xffff, v1  }
0x1a: {  	v2 =	vld [tilespmem:s12+$0xFFFFFFA0];
	_ =	sdelay $0x7  }
0x1b: {  	[tilespmem:v2+s7+$0x0] =	vst.idx.add.f32.msk $0xffff, v1  }
0x1c: {  	v2 =	vld [tilespmem:s12+$0xFFFFFFB0];
	_ =	sdelay $0x7  }
0x1d: {  	[tilespmem:v2+s7+$0x0] =	vst.idx.add.f32.msk $0xffff, v1  }
0x1e: {  	v2 =	vld [tilespmem:s12+$0xFFFFFFC0];
	_ =	sdelay $0x7  }
0x1f: {  	[tilespmem:v2+s7+$0x0] =	vst.idx.add.f32.msk $0xffff, v1  }
0x20: {  	v2 =	vld [tilespmem:s12+$0xFFFFFFD0];
	_ =	sdelay $0x7  }
0x21: {  	[tilespmem:v2+s7+$0x0] =	vst.idx.add.f32.msk $0xffff, v1  }
0x22: {  	v2 =	vld [tilespmem:s12+$0xFFFFFFE0];
	_ =	sdelay $0x7  }
0x23: {  	[tilespmem:v2+s7+$0x0] =	vst.idx.add.f32.msk $0xffff, v1  }
0x24: {  	v2 =	vld [tilespmem:s12+$0xFFFFFFF0];
	_ =	sdelay $0x7  }
0x25: {  	[tilespmem:v2+s7+$0x0] =	vst.idx.add.f32.msk $0xffff, v1  }
0x26: {  	v2 =	vld [tilespmem:s12+$0x0];
	_ =	sdelay $0x2  }
0x27: {  	p0 =	sne.s32 s11, $0x9FC0  }
.Ltmp1:
0x28: {  	_ = 	snop;
	(pc) =	sbr.rel @p0 .LBB2_4-.Ltmp1, $2  }
0x29: {  	_ =	sdelay $0x2  }
0x2a: {  	s11 =	sadd.s32 $0x200, s11;
	[tilespmem:v2+s7+$0x0] =	vst.idx.add.f32.msk $0xffff, v1  }
0x2b: {  	s10 =	sadd.s32 $0x1, s10  }
0x2c: {  	p0 =	sne.s32 s10, s5  }
.Ltmp2:
0x2d: {  	_ = 	snop;
	(pc) =	sbr.rel @p0 .LBB2_1-.Ltmp2, $4  }
0x2e: {  	[hbm4b:s4+s8] =	stream.strided.scatter [tilespmem:s7], [sflag:$0x1], $0x2800, s9, s8, $0x38;
	[tilespmem:$0x5000] =	vst v63  }
0x2f: {  	_ =	swait.ge [sflag:s6], $0x2800  }
0x30: {  	[sflag:s6] =	ssyncset.done $0x0  }
0x31: {  	[sflag:s6] =	ssyncadd.s32 $0xFFFFD800  }
0x32: {  	_ =	sfence.sel $0x180000  }
0x33: {  	[bflag:$0x0] =	sbarrier.arrive $0xFFFF  }
0x34: {  	p0 =	sne.s32 s1, $0x0;
	_ =	strace $0x90000047  }
0x35: {  	s0 =	sadd.s32 @!p0 $0x100000, s0;
	[bflag:$0x2] =	sbarrier.arrive $0xFFFF  }
0x36: {  	[sflag:s0] =	ssyncadd.tile.s32 @!p0 $0x1;
	_ =	shalt  }
.Lfunc_end2:
_tile_overlayer_lowered:
.L_overlay_start_2:
0x37: {  	(tag) =	ssettag $0x2  }
0x38: {  	s0 =	rddreg [dreg:$0x0];
	s2 =	stileid.u32  }
0x39: {  	s1 =	rddreg [dreg:$0x1];
	p0 =	sne.s32 s2, $0x0  }
0x3a: {  	s3 =	rddreg [dreg:$0x2];
	[bflag:$0x3] =	sbarrier.arrive $0xFFFF;
	s2 =	simm.s32 @!p0 $0x1C01  }
0x3b: {  	[timem:s3], [sflag:s2] =	dma.local @!p0 [hbm:s0], s1  }
0x3c: {  	s0 =	simm.s32 @!p0 $0x1  }
0x3d: {  	_ =	swait.ge @!p0 [sflag:s0], s1  }
0x3e: {  	s1 =	ssub.s32 @!p0 $0x0, s1;
	[sflag:s0] =	ssyncset.done @!p0 $0x0  }
0x3f: {  	[sflag:s0] =	ssyncadd.s32 @!p0 s1  }
0x40: {  	[bflag:$0x3] =	sbarrier.arrive $0xFFFF  }
0x41: {  	_ =	shalt  }

</sc_bundles>
